<compile_context>
chip_gen: v7x
topology: tpu7x:2x2x1
jax: 0.10.2.dev20260603
libtpu: 0.0.44.dev20260713+nightly
codegen_flags: <defaults>
</compile_context>

<pallas_src>
import functools

import jax
import jax.numpy as jnp
from jax import lax
from jax.experimental import pallas as pl
from jax.experimental.pallas import tpu as pltpu
from jax.experimental.pallas import tpu_sc as plsc

N_CODES = 1024
EMBED_DIM = 256
N_TOKENS = 16384
BLK = 4096
GRID = N_TOKENS // BLK
EPS = 1e-12


def _tc_body(z_ref, emb_ref, idx_ref, loss_ref, perp_ref,
             embn_ref, nrm_ref, acc_ref, znsq_ref, kmat_ref):
    pid = pl.program_id(0)

    @pl.when(pid == 0)
    def _init():
        e = emb_ref[...]
        ss = jnp.sum(e * e, axis=1, keepdims=True)
        nc = jnp.maximum(jnp.sqrt(ss), EPS)
        embn_ref[...] = e / nc
        nrm_ref[...] = jnp.concatenate([nc, ss], axis=1)
        acc_ref[...] = jnp.zeros((2, N_CODES), jnp.float32)
        znsq_ref[0, 0] = 0.0
        kv = lax.broadcasted_iota(jnp.int32, (3, N_CODES), 1)
        cv = lax.broadcasted_iota(jnp.int32, (3, N_CODES), 0)
        kmat_ref[...] = jnp.where(cv == 0, kv >> 5,
                                  jnp.where(cv == 1, kv & 31, 1)
                                  ).astype(jnp.bfloat16)

    z = z_ref[...]
    zn = z / jnp.maximum(jnp.sqrt(jnp.sum(z * z, axis=1, keepdims=True)), EPS)

    sim = lax.dot_general(zn, embn_ref[...], (((1,), (1,)), ((), ())),
                          preferred_element_type=jnp.float32)

    dist = 1.0 - sim
    dmin = jnp.min(dist, axis=1, keepdims=True)
    m = 1.0 - dmin
    eq = dist == dmin
    eqf = jnp.where(eq, 1.0, 0.0).astype(jnp.bfloat16)

    parts = lax.dot_general(kmat_ref[...], eqf, (((1,), (1,)), ((), ())),
                            preferred_element_type=jnp.float32)
    hi, lo, cnt = parts[0:1, :], parts[1:2, :], parts[2:3, :]
    idxr = lax.round((hi * 32.0 + lo) / cnt,
                     lax.RoundingMethod.TO_NEAREST_EVEN).astype(jnp.int32)
    idx_ref[...] = idxr.reshape(1, 1, BLK)

    lhs = jnp.concatenate([jnp.ones((1, BLK), jnp.float32),
                           m.reshape(1, BLK)], axis=0).astype(jnp.bfloat16)
    acc_ref[...] += lax.dot_general(lhs, eqf, (((1,), (0,)), ((), ())),
                                    preferred_element_type=jnp.float32)
    znsq_ref[0, 0] += jnp.sum(zn * zn)

    @pl.when(pid == GRID - 1)
    def _fin():
        acc = acc_ref[...]
        res = lax.dot_general(acc, nrm_ref[...], (((1,), (0,)), ((), ())),
                              preferred_element_type=jnp.float32,
                              precision=lax.Precision.HIGHEST)
        i0 = lax.broadcasted_iota(jnp.int32, (2, 2), 0)
        i1 = lax.broadcasted_iota(jnp.int32, (2, 2), 1)
        cnt_nsq = jnp.sum(jnp.where((i0 == 0) & (i1 == 1), res, 0.0))
        s_nc = jnp.sum(jnp.where((i0 == 1) & (i1 == 0), res, 0.0))
        loss_ref[0, 0] = 0.25 * (znsq_ref[0, 0] - 2.0 * s_nc + cnt_nsq) \
            / jnp.float32(N_TOKENS * EMBED_DIM)
        p = acc[0:1, :] * jnp.float32(1.0 / N_TOKENS)
        ent = -jnp.sum(p * jnp.log(p + 1e-10))
        perp_ref[0, 0] = jnp.exp(ent)


def _tc_call(z, embeddings, interpret=False):
    return pl.pallas_call(
        _tc_body,
        grid=(GRID,),
        in_specs=[
            pl.BlockSpec((BLK, EMBED_DIM), lambda i: (i, 0)),
            pl.BlockSpec((N_CODES, EMBED_DIM), lambda i: (0, 0)),
        ],
        out_specs=[
            pl.BlockSpec((1, 1, BLK), lambda i: (i, 0, 0)),
            pl.BlockSpec(memory_space=pltpu.SMEM),
            pl.BlockSpec(memory_space=pltpu.SMEM),
        ],
        out_shape=[
            jax.ShapeDtypeStruct((GRID, 1, BLK), jnp.int32),
            jax.ShapeDtypeStruct((1, 1), jnp.float32),
            jax.ShapeDtypeStruct((1, 1), jnp.float32),
        ],
        scratch_shapes=[
            pltpu.VMEM((N_CODES, EMBED_DIM), jnp.float32),
            pltpu.VMEM((N_CODES, 2), jnp.float32),
            pltpu.VMEM((2, N_CODES), jnp.float32),
            pltpu.SMEM((1, 1), jnp.float32),
            pltpu.VMEM((3, N_CODES), jnp.bfloat16),
        ],
        interpret=interpret,
    )(z, embeddings)


def _sc_gather(embeddings, idx2d):
    info = plsc.get_sparse_core_info()
    nw = info.num_cores * info.num_subcores
    b_per_w = N_TOKENS // nw
    ch = 128
    nch = b_per_w // ch
    mesh = plsc.VectorSubcoreMesh(core_axis_name="c", subcore_axis_name="s")

    nbuf = 3

    @functools.partial(
        pl.kernel, mesh=mesh,
        out_type=jax.ShapeDtypeStruct((N_TOKENS, EMBED_DIM), jnp.float32),
        scratch_types=[
            pltpu.VMEM((nch, ch), jnp.int32),
            pltpu.VMEM((ch, EMBED_DIM), jnp.float32),
            pltpu.VMEM((ch, EMBED_DIM), jnp.float32),
            pltpu.VMEM((ch, EMBED_DIM), jnp.float32),
            pltpu.SemaphoreType.DMA,
            pltpu.SemaphoreType.DMA,
        ],
    )
    def k(table_hbm, idx_hbm, out_hbm, idx_v, rows0, rows1, rows2, gsem, ssem):
        wid = lax.axis_index("s") * info.num_cores + lax.axis_index("c")
        base = wid * b_per_w
        bufs = [rows0, rows1, rows2]
        pltpu.sync_copy(idx_hbm.at[pl.ds(wid * nch, nch)], idx_v)
        gh = [None] * nch
        for j in range(min(2, nch)):
            gh[j] = pltpu.async_copy(table_hbm.at[idx_v.at[j]], bufs[j % nbuf],
                                     gsem)
        stores = [None] * nch
        for j in range(nch):
            gh[j].wait()
            stores[j] = pltpu.async_copy(bufs[j % nbuf],
                                         out_hbm.at[pl.ds(base + j * ch, ch)],
                                         ssem)
            if j + 2 < nch:
                if j >= 1:
                    stores[j - 1].wait()
                gh[j + 2] = pltpu.async_copy(table_hbm.at[idx_v.at[j + 2]],
                                             bufs[(j + 2) % nbuf], gsem)
        stores[nch - 2].wait()
        stores[nch - 1].wait()

    return k(embeddings, idx2d)


def kernel(z, embeddings):
    idx3d, loss, perp = _tc_call(z, embeddings)
    idx = idx3d.reshape(N_TOKENS)
    emb_st = _sc_gather(embeddings, idx.reshape(128, 128))
    return emb_st, idx, loss.reshape(()), perp.reshape(())

# --- scband reference (transcript-rebuilt; emitter-appended) ---
"""Pipeline reference for scband-codebook-4612794876163 (READ-ONLY COPY).

The authoritative reference and input builder live on the scoring server;
editing this copy changes nothing except your own understanding.
"""

import jax, jax.numpy as jnp
import numpy as np

N_CODES = 1024
EMBED_DIM = 256
N_TOKENS = 16384


def _l2norm(x, axis=-1, eps=1e-12):
    n = jnp.sqrt(jnp.sum(x * x, axis=axis, keepdims=True))
    return x / jnp.maximum(n, eps)


def setup_inputs(seed: int = 0) -> dict:
    key = jax.random.key(seed)
    k1, k2 = jax.random.split(key)
    z = jax.random.normal(k1, (N_TOKENS, EMBED_DIM), dtype=jnp.float32)
    embeddings = jax.random.normal(k2, (N_CODES, EMBED_DIM), dtype=jnp.float32)
    return {"z": z, "embeddings": embeddings}


def reference(z, embeddings):
    # eval-mode forward of Codebook (training-only EMA updates / init skipped)
    zn = _l2norm(z, axis=1)  # F.normalize(z, p=2) with default dim=1
    # distances = 1 - cosine_similarity(z[:,None,:], emb[None,:,:], dim=-1)
    emb_n = _l2norm(embeddings, axis=1)
    sim = zn @ emb_n.T  # (N, K)
    distances = 1.0 - sim
    encode_indices = jnp.argmin(distances, axis=1)  # (N,)
    quant = jnp.take(embeddings, encode_indices, axis=0)  # F.embedding
    commitment_loss = 0.25 * jnp.mean((zn - jax.lax.stop_gradient(quant)) ** 2)
    # straight-through estimator
    emb_st = jax.lax.stop_gradient(quant - zn) + zn
    counts = jnp.bincount(encode_indices, length=N_CODES).astype(jnp.float32)
    avg_probs = counts / jnp.float32(zn.shape[0])  # mean of one-hot over batch
    perplexity = jnp.exp(-jnp.sum(avg_probs * jnp.log(avg_probs + 1e-10)))
    return emb_st, encode_indices, commitment_loss, perplexity

if __name__ == "__main__":
    import jax
    _d = setup_inputs()
    print(jax.jit(kernel)(*tuple(_d.values())))

</pallas_src>

<mosaic_0001>
#map = affine_map<(d0, d1) -> (0, 0)>
module attributes {stable_mosaic.version = 14 : i64} {
  func.func @k(%arg0: i32, %arg1: i32, %arg2: memref<1024x256xf32, #tpu.memory_space<hbm>>, %arg3: memref<128x128xi32, #tpu.memory_space<hbm>>, %arg4: memref<16384x256xf32, #tpu.memory_space<hbm>>, %arg5: memref<4x128xi32, #tpu.memory_space<vmem>>, %arg6: memref<128x256xf32, #tpu.memory_space<vmem>>, %arg7: memref<128x256xf32, #tpu.memory_space<vmem>>, %arg8: memref<128x256xf32, #tpu.memory_space<vmem>>, %arg9: memref<!tpu.dma_semaphore, #tpu.memory_space<semaphore_mem>>, %arg10: memref<!tpu.dma_semaphore, #tpu.memory_space<semaphore_mem>>) attributes {dimension_semantics = [#tpu.dimension_semantics<core_parallel>, #tpu.dimension_semantics<subcore_parallel>], iteration_bounds = array<i64: 2, 16>, scalar_prefetch = 0 : i64, scratch_operands = 6 : i64, tpu.core_type = #tpu.core_type<sc_vector_subcore>, window_params = [{transform_indices = #map}, {transform_indices = #map}, {transform_indices = #map}]} {
    %mul3A = arith.constant 2 : i32
    %mul3A_0 = arith.muli %arg1, %mul3A : i32
    %add3A = arith.addi %mul3A_0, %arg0 : i32
    %mul3A_1 = arith.constant 512 : i32
    %mul3A_2 = arith.muli %add3A, %mul3A_1 : i32
    %mul3A_3 = arith.constant 4 : i32
    %mul3A_4 = arith.muli %add3A, %mul3A_3 : i32
    "tpu.region"() ({
      %run_scoped3A = tpu.sem_alloc : memref<!tpu.dma_semaphore, #tpu.memory_space<semaphore_mem>>
      %dma_start3A_95 = arith.constant 0 : i32
      %dma_start3A_96 = tpu.memref_slice %arg3[%mul3A_4, %dma_start3A_95] : memref<128x128xi32, #tpu.memory_space<hbm>> -> memref<4x128xi32, #tpu.memory_space<hbm>>
      %dma_start3A_97 = arith.constant 0 : i32
      %dma_start3A_98 = tpu.memref_slice %arg3[%mul3A_4, %dma_start3A_97] : memref<128x128xi32, #tpu.memory_space<hbm>> -> memref<4x128xi32, #tpu.memory_space<hbm>>
      tpu.enqueue_dma source(%dma_start3A_98 : memref<4x128xi32, #tpu.memory_space<hbm>>) target(%arg5 : memref<4x128xi32, #tpu.memory_space<vmem>>) target_semaphore(%run_scoped3A : memref<!tpu.dma_semaphore, #tpu.memory_space<semaphore_mem>>)
      %dma_wait3A_99 = arith.constant 0 : i32
      %dma_wait3A_100 = tpu.memref_slice %arg3[%mul3A_4, %dma_wait3A_99] : memref<128x128xi32, #tpu.memory_space<hbm>> -> memref<4x128xi32, #tpu.memory_space<hbm>>
      %dma_wait3A_101 = arith.constant 0 : i32
      %dma_wait3A_102 = tpu.memref_slice %arg3[%mul3A_4, %dma_wait3A_101] : memref<128x128xi32, #tpu.memory_space<hbm>> -> memref<4x128xi32, #tpu.memory_space<hbm>>
      tpu.wait_dma2 semaphore(%run_scoped3A : memref<!tpu.dma_semaphore, #tpu.memory_space<semaphore_mem>>) src(%dma_wait3A_102 : memref<4x128xi32, #tpu.memory_space<hbm>>) dst(%arg5 : memref<4x128xi32, #tpu.memory_space<vmem>>)
      tpu.yield
    }) : () -> ()
    %dma_start3A = arith.constant 0 : i32
    %dma_start3A_5 = arith.constant 0 : i32
    %dma_start3A_6 = tpu.memref_slice %arg5[%dma_start3A, %dma_start3A_5] : memref<4x128xi32, #tpu.memory_space<vmem>> -> memref<1x128xi32, #tpu.memory_space<vmem>>
    %dma_start3A_7 = tpu.memref_squeeze %dma_start3A_6 : memref<1x128xi32, #tpu.memory_space<vmem>> -> memref<128xi32, #tpu.memory_space<vmem>>
    %dma_start3A_8 = arith.constant 0 : i32
    %dma_start3A_9 = arith.constant 0 : i32
    %dma_start3A_10 = tpu.memref_slice %arg2[%dma_start3A_8, %dma_start3A_9] : memref<1024x256xf32, #tpu.memory_space<hbm>> -> memref<1024x256xf32, #tpu.memory_space<hbm>>
    tpu.enqueue_indirect_dma source(%dma_start3A_10 : memref<1024x256xf32, #tpu.memory_space<hbm>>) target(%arg6 : memref<128x256xf32, #tpu.memory_space<vmem>>) offsets(%dma_start3A_7 : memref<128xi32, #tpu.memory_space<vmem>>) semaphore(%arg9 : memref<!tpu.dma_semaphore, #tpu.memory_space<semaphore_mem>>)
    %dma_start3A_11 = arith.constant 1 : i32
    %dma_start3A_12 = arith.constant 0 : i32
    %dma_start3A_13 = tpu.memref_slice %arg5[%dma_start3A_11, %dma_start3A_12] : memref<4x128xi32, #tpu.memory_space<vmem>> -> memref<1x128xi32, #tpu.memory_space<vmem>>
    %dma_start3A_14 = tpu.memref_squeeze %dma_start3A_13 : memref<1x128xi32, #tpu.memory_space<vmem>> -> memref<128xi32, #tpu.memory_space<vmem>>
    %dma_start3A_15 = arith.constant 0 : i32
    %dma_start3A_16 = arith.constant 0 : i32
    %dma_start3A_17 = tpu.memref_slice %arg2[%dma_start3A_15, %dma_start3A_16] : memref<1024x256xf32, #tpu.memory_space<hbm>> -> memref<1024x256xf32, #tpu.memory_space<hbm>>
    tpu.enqueue_indirect_dma source(%dma_start3A_17 : memref<1024x256xf32, #tpu.memory_space<hbm>>) target(%arg7 : memref<128x256xf32, #tpu.memory_space<vmem>>) offsets(%dma_start3A_14 : memref<128xi32, #tpu.memory_space<vmem>>) semaphore(%arg9 : memref<!tpu.dma_semaphore, #tpu.memory_space<semaphore_mem>>)
    %dma_wait3A = arith.constant 0 : i32
    %dma_wait3A_18 = arith.constant 0 : i32
    %dma_wait3A_19 = tpu.memref_slice %arg5[%dma_wait3A, %dma_wait3A_18] : memref<4x128xi32, #tpu.memory_space<vmem>> -> memref<1x128xi32, #tpu.memory_space<vmem>>
    %dma_wait3A_20 = tpu.memref_squeeze %dma_wait3A_19 : memref<1x128xi32, #tpu.memory_space<vmem>> -> memref<128xi32, #tpu.memory_space<vmem>>
    %dma_wait3A_21 = arith.constant 0 : i32
    %dma_wait3A_22 = arith.constant 0 : i32
    %dma_wait3A_23 = tpu.memref_slice %arg2[%dma_wait3A_21, %dma_wait3A_22] : memref<1024x256xf32, #tpu.memory_space<hbm>> -> memref<1024x256xf32, #tpu.memory_space<hbm>>
    tpu.wait_indirect_dma semaphore(%arg9 : memref<!tpu.dma_semaphore, #tpu.memory_space<semaphore_mem>>) src(%dma_wait3A_23 : memref<1024x256xf32, #tpu.memory_space<hbm>>) dst(%arg6 : memref<128x256xf32, #tpu.memory_space<vmem>>)
    %add3A_24 = arith.constant 0 : i32
    %add3A_25 = arith.addi %mul3A_2, %add3A_24 : i32
    %dma_start3A_26 = arith.constant 0 : i32
    %dma_start3A_27 = tpu.memref_slice %arg4[%add3A_25, %dma_start3A_26] : memref<16384x256xf32, #tpu.memory_space<hbm>> -> memref<128x256xf32, #tpu.memory_space<hbm>>
    %dma_start3A_28 = arith.constant 0 : i32
    %dma_start3A_29 = tpu.memref_slice %arg4[%add3A_25, %dma_start3A_28] : memref<16384x256xf32, #tpu.memory_space<hbm>> -> memref<128x256xf32, #tpu.memory_space<hbm>>
    tpu.enqueue_dma source(%arg6 : memref<128x256xf32, #tpu.memory_space<vmem>>) target(%dma_start3A_29 : memref<128x256xf32, #tpu.memory_space<hbm>>) target_semaphore(%arg10 : memref<!tpu.dma_semaphore, #tpu.memory_space<semaphore_mem>>)
    %dma_start3A_30 = arith.constant 2 : i32
    %dma_start3A_31 = arith.constant 0 : i32
    %dma_start3A_32 = tpu.memref_slice %arg5[%dma_start3A_30, %dma_start3A_31] : memref<4x128xi32, #tpu.memory_space<vmem>> -> memref<1x128xi32, #tpu.memory_space<vmem>>
    %dma_start3A_33 = tpu.memref_squeeze %dma_start3A_32 : memref<1x128xi32, #tpu.memory_space<vmem>> -> memref<128xi32, #tpu.memory_space<vmem>>
    %dma_start3A_34 = arith.constant 0 : i32
    %dma_start3A_35 = arith.constant 0 : i32
    %dma_start3A_36 = tpu.memref_slice %arg2[%dma_start3A_34, %dma_start3A_35] : memref<1024x256xf32, #tpu.memory_space<hbm>> -> memref<1024x256xf32, #tpu.memory_space<hbm>>
    tpu.enqueue_indirect_dma source(%dma_start3A_36 : memref<1024x256xf32, #tpu.memory_space<hbm>>) target(%arg8 : memref<128x256xf32, #tpu.memory_space<vmem>>) offsets(%dma_start3A_33 : memref<128xi32, #tpu.memory_space<vmem>>) semaphore(%arg9 : memref<!tpu.dma_semaphore, #tpu.memory_space<semaphore_mem>>)
    %dma_wait3A_37 = arith.constant 1 : i32
    %dma_wait3A_38 = arith.constant 0 : i32
    %dma_wait3A_39 = tpu.memref_slice %arg5[%dma_wait3A_37, %dma_wait3A_38] : memref<4x128xi32, #tpu.memory_space<vmem>> -> memref<1x128xi32, #tpu.memory_space<vmem>>
    %dma_wait3A_40 = tpu.memref_squeeze %dma_wait3A_39 : memref<1x128xi32, #tpu.memory_space<vmem>> -> memref<128xi32, #tpu.memory_space<vmem>>
    %dma_wait3A_41 = arith.constant 0 : i32
    %dma_wait3A_42 = arith.constant 0 : i32
    %dma_wait3A_43 = tpu.memref_slice %arg2[%dma_wait3A_41, %dma_wait3A_42] : memref<1024x256xf32, #tpu.memory_space<hbm>> -> memref<1024x256xf32, #tpu.memory_space<hbm>>
    tpu.wait_indirect_dma semaphore(%arg9 : memref<!tpu.dma_semaphore, #tpu.memory_space<semaphore_mem>>) src(%dma_wait3A_43 : memref<1024x256xf32, #tpu.memory_space<hbm>>) dst(%arg7 : memref<128x256xf32, #tpu.memory_space<vmem>>)
    %add3A_44 = arith.constant 128 : i32
    %add3A_45 = arith.addi %mul3A_2, %add3A_44 : i32
    %dma_start3A_46 = arith.constant 0 : i32
    %dma_start3A_47 = tpu.memref_slice %arg4[%add3A_45, %dma_start3A_46] : memref<16384x256xf32, #tpu.memory_space<hbm>> -> memref<128x256xf32, #tpu.memory_space<hbm>>
    %dma_start3A_48 = arith.constant 0 : i32
    %dma_start3A_49 = tpu.memref_slice %arg4[%add3A_45, %dma_start3A_48] : memref<16384x256xf32, #tpu.memory_space<hbm>> -> memref<128x256xf32, #tpu.memory_space<hbm>>
    tpu.enqueue_dma source(%arg7 : memref<128x256xf32, #tpu.memory_space<vmem>>) target(%dma_start3A_49 : memref<128x256xf32, #tpu.memory_space<hbm>>) target_semaphore(%arg10 : memref<!tpu.dma_semaphore, #tpu.memory_space<semaphore_mem>>)
    %dma_wait3A_50 = arith.constant 0 : i32
    %dma_wait3A_51 = tpu.memref_slice %arg4[%add3A_25, %dma_wait3A_50] : memref<16384x256xf32, #tpu.memory_space<hbm>> -> memref<128x256xf32, #tpu.memory_space<hbm>>
    %dma_wait3A_52 = arith.constant 0 : i32
    %dma_wait3A_53 = tpu.memref_slice %arg4[%add3A_25, %dma_wait3A_52] : memref<16384x256xf32, #tpu.memory_space<hbm>> -> memref<128x256xf32, #tpu.memory_space<hbm>>
    tpu.wait_dma2 semaphore(%arg10 : memref<!tpu.dma_semaphore, #tpu.memory_space<semaphore_mem>>) src(%arg6 : memref<128x256xf32, #tpu.memory_space<vmem>>) dst(%dma_wait3A_53 : memref<128x256xf32, #tpu.memory_space<hbm>>)
    %dma_start3A_54 = arith.constant 3 : i32
    %dma_start3A_55 = arith.constant 0 : i32
    %dma_start3A_56 = tpu.memref_slice %arg5[%dma_start3A_54, %dma_start3A_55] : memref<4x128xi32, #tpu.memory_space<vmem>> -> memref<1x128xi32, #tpu.memory_space<vmem>>
    %dma_start3A_57 = tpu.memref_squeeze %dma_start3A_56 : memref<1x128xi32, #tpu.memory_space<vmem>> -> memref<128xi32, #tpu.memory_space<vmem>>
    %dma_start3A_58 = arith.constant 0 : i32
    %dma_start3A_59 = arith.constant 0 : i32
    %dma_start3A_60 = tpu.memref_slice %arg2[%dma_start3A_58, %dma_start3A_59] : memref<1024x256xf32, #tpu.memory_space<hbm>> -> memref<1024x256xf32, #tpu.memory_space<hbm>>
    tpu.enqueue_indirect_dma source(%dma_start3A_60 : memref<1024x256xf32, #tpu.memory_space<hbm>>) target(%arg6 : memref<128x256xf32, #tpu.memory_space<vmem>>) offsets(%dma_start3A_57 : memref<128xi32, #tpu.memory_space<vmem>>) semaphore(%arg9 : memref<!tpu.dma_semaphore, #tpu.memory_space<semaphore_mem>>)
    %dma_wait3A_61 = arith.constant 2 : i32
    %dma_wait3A_62 = arith.constant 0 : i32
    %dma_wait3A_63 = tpu.memref_slice %arg5[%dma_wait3A_61, %dma_wait3A_62] : memref<4x128xi32, #tpu.memory_space<vmem>> -> memref<1x128xi32, #tpu.memory_space<vmem>>
    %dma_wait3A_64 = tpu.memref_squeeze %dma_wait3A_63 : memref<1x128xi32, #tpu.memory_space<vmem>> -> memref<128xi32, #tpu.memory_space<vmem>>
    %dma_wait3A_65 = arith.constant 0 : i32
    %dma_wait3A_66 = arith.constant 0 : i32
    %dma_wait3A_67 = tpu.memref_slice %arg2[%dma_wait3A_65, %dma_wait3A_66] : memref<1024x256xf32, #tpu.memory_space<hbm>> -> memref<1024x256xf32, #tpu.memory_space<hbm>>
    tpu.wait_indirect_dma semaphore(%arg9 : memref<!tpu.dma_semaphore, #tpu.memory_space<semaphore_mem>>) src(%dma_wait3A_67 : memref<1024x256xf32, #tpu.memory_space<hbm>>) dst(%arg8 : memref<128x256xf32, #tpu.memory_space<vmem>>)
    %add3A_68 = arith.constant 256 : i32
    %add3A_69 = arith.addi %mul3A_2, %add3A_68 : i32
    %dma_start3A_70 = arith.constant 0 : i32
    %dma_start3A_71 = tpu.memref_slice %arg4[%add3A_69, %dma_start3A_70] : memref<16384x256xf32, #tpu.memory_space<hbm>> -> memref<128x256xf32, #tpu.memory_space<hbm>>
    %dma_start3A_72 = arith.constant 0 : i32
    %dma_start3A_73 = tpu.memref_slice %arg4[%add3A_69, %dma_start3A_72] : memref<16384x256xf32, #tpu.memory_space<hbm>> -> memref<128x256xf32, #tpu.memory_space<hbm>>
    tpu.enqueue_dma source(%arg8 : memref<128x256xf32, #tpu.memory_space<vmem>>) target(%dma_start3A_73 : memref<128x256xf32, #tpu.memory_space<hbm>>) target_semaphore(%arg10 : memref<!tpu.dma_semaphore, #tpu.memory_space<semaphore_mem>>)
    %dma_wait3A_74 = arith.constant 3 : i32
    %dma_wait3A_75 = arith.constant 0 : i32
    %dma_wait3A_76 = tpu.memref_slice %arg5[%dma_wait3A_74, %dma_wait3A_75] : memref<4x128xi32, #tpu.memory_space<vmem>> -> memref<1x128xi32, #tpu.memory_space<vmem>>
    %dma_wait3A_77 = tpu.memref_squeeze %dma_wait3A_76 : memref<1x128xi32, #tpu.memory_space<vmem>> -> memref<128xi32, #tpu.memory_space<vmem>>
    %dma_wait3A_78 = arith.constant 0 : i32
    %dma_wait3A_79 = arith.constant 0 : i32
    %dma_wait3A_80 = tpu.memref_slice %arg2[%dma_wait3A_78, %dma_wait3A_79] : memref<1024x256xf32, #tpu.memory_space<hbm>> -> memref<1024x256xf32, #tpu.memory_space<hbm>>
    tpu.wait_indirect_dma semaphore(%arg9 : memref<!tpu.dma_semaphore, #tpu.memory_space<semaphore_mem>>) src(%dma_wait3A_80 : memref<1024x256xf32, #tpu.memory_space<hbm>>) dst(%arg6 : memref<128x256xf32, #tpu.memory_space<vmem>>)
    %add3A_81 = arith.constant 384 : i32
    %add3A_82 = arith.addi %mul3A_2, %add3A_81 : i32
    %dma_start3A_83 = arith.constant 0 : i32
    %dma_start3A_84 = tpu.memref_slice %arg4[%add3A_82, %dma_start3A_83] : memref<16384x256xf32, #tpu.memory_space<hbm>> -> memref<128x256xf32, #tpu.memory_space<hbm>>
    %dma_start3A_85 = arith.constant 0 : i32
    %dma_start3A_86 = tpu.memref_slice %arg4[%add3A_82, %dma_start3A_85] : memref<16384x256xf32, #tpu.memory_space<hbm>> -> memref<128x256xf32, #tpu.memory_space<hbm>>
    tpu.enqueue_dma source(%arg6 : memref<128x256xf32, #tpu.memory_space<vmem>>) target(%dma_start3A_86 : memref<128x256xf32, #tpu.memory_space<hbm>>) target_semaphore(%arg10 : memref<!tpu.dma_semaphore, #tpu.memory_space<semaphore_mem>>)
    %dma_wait3A_87 = arith.constant 0 : i32
    %dma_wait3A_88 = tpu.memref_slice %arg4[%add3A_69, %dma_wait3A_87] : memref<16384x256xf32, #tpu.memory_space<hbm>> -> memref<128x256xf32, #tpu.memory_space<hbm>>
    %dma_wait3A_89 = arith.constant 0 : i32
    %dma_wait3A_90 = tpu.memref_slice %arg4[%add3A_69, %dma_wait3A_89] : memref<16384x256xf32, #tpu.memory_space<hbm>> -> memref<128x256xf32, #tpu.memory_space<hbm>>
    tpu.wait_dma2 semaphore(%arg10 : memref<!tpu.dma_semaphore, #tpu.memory_space<semaphore_mem>>) src(%arg8 : memref<128x256xf32, #tpu.memory_space<vmem>>) dst(%dma_wait3A_90 : memref<128x256xf32, #tpu.memory_space<hbm>>)
    %dma_wait3A_91 = arith.constant 0 : i32
    %dma_wait3A_92 = tpu.memref_slice %arg4[%add3A_82, %dma_wait3A_91] : memref<16384x256xf32, #tpu.memory_space<hbm>> -> memref<128x256xf32, #tpu.memory_space<hbm>>
    %dma_wait3A_93 = arith.constant 0 : i32
    %dma_wait3A_94 = tpu.memref_slice %arg4[%add3A_82, %dma_wait3A_93] : memref<16384x256xf32, #tpu.memory_space<hbm>> -> memref<128x256xf32, #tpu.memory_space<hbm>>
    tpu.wait_dma2 semaphore(%arg10 : memref<!tpu.dma_semaphore, #tpu.memory_space<semaphore_mem>>) src(%arg6 : memref<128x256xf32, #tpu.memory_space<vmem>>) dst(%dma_wait3A_94 : memref<128x256xf32, #tpu.memory_space<hbm>>)
    return
  }
}

module attributes {stable_mosaic.version = 14 : i64} {
  func.func @_tc_body(%arg0: i32, %arg1: memref<4096x256xf32, #tpu.memory_space<vmem>>, %arg2: memref<1024x256xf32, #tpu.memory_space<vmem>>, %arg3: memref<1x1x4096xi32, #tpu.memory_space<vmem>>, %arg4: memref<1x1xf32, #tpu.memory_space<smem>>, %arg5: memref<1x1xf32, #tpu.memory_space<smem>>, %arg6: memref<1024x256xf32, #tpu.memory_space<vmem>>, %arg7: memref<1024x2xf32, #tpu.memory_space<vmem>>, %arg8: memref<2x1024xf32, #tpu.memory_space<vmem>>, %arg9: memref<1x1xf32, #tpu.memory_space<smem>>, %arg10: memref<3x1024xbf16, #tpu.memory_space<vmem>>) attributes {dimension_semantics = [#tpu.dimension_semantics<arbitrary>], iteration_bounds = array<i64: 4>, scalar_prefetch = 0 : i64, scratch_operands = 5 : i64, tpu.core_type = #tpu.core_type<tc>, window_params = [{transform_indices = @transform_0, window_bounds = array<i64: 4096, 256>}, {pipeline_mode = #tpu.pipeline_mode<synchronous>, transform_indices = @transform_1, window_bounds = array<i64: 1024, 256>}, {transform_indices = @transform_2, window_bounds = array<i64: 1, 1, 4096>}, {transform_indices = @transform_3, window_bounds = array<i64: 1, 1>}, {transform_indices = @transform_4, window_bounds = array<i64: 1, 1>}]} {
    %eq3A = arith.constant 0 : i32
    %eq3A_0 = arith.cmpi eq, %arg0, %eq3A : i32
    %convert_element_type3A = arith.extui %eq3A_0 : i1 to i32
    %cond3A = arith.constant 0 : i32
    %cond3A_1 = arith.cmpi ne, %convert_element_type3A, %cond3A : i32
    scf.if %cond3A_1 {
      %get3A_71 = arith.constant 0 : index
      %get3A_72 = arith.constant 0 : index
      %get3A_73 = vector.load %arg2[%get3A_71, %get3A_72] : memref<1024x256xf32, #tpu.memory_space<vmem>>, vector<1024x256xf32>
      %mul3A_74 = arith.mulf %get3A_73, %get3A_73 : vector<1024x256xf32>
      %reduce_sum3A_75 = arith.constant dense<0.000000e+00> : vector<1024xf32>
      %reduce_sum3A_76 = vector.multi_reduction <add>, %mul3A_74, %reduce_sum3A_75 [1] : vector<1024x256xf32> to vector<1024xf32>
      %broadcast_in_dim3A_77 = vector.shape_cast %reduce_sum3A_76 : vector<1024xf32> to vector<1024x1xf32>
      %sqrt3A_78 = math.sqrt %broadcast_in_dim3A_77 : vector<1024x1xf32>
      %max3A_79 = arith.constant 9.99999996E-13 : f32
      %max3A_80 = vector.broadcast %max3A_79 : f32 to vector<1024x1xf32>
      %max3A_81 = arith.maximumf %sqrt3A_78, %max3A_80 : vector<1024x1xf32>
      %div3A_82 = vector.broadcast %max3A_81 : vector<1024x1xf32> to vector<1024x256xf32>
      %div3A_83 = arith.divf %get3A_73, %div3A_82 : vector<1024x256xf32>
      %swap3A_84 = arith.constant 0 : index
      %swap3A_85 = arith.constant 0 : index
      %swap3A_86 = vector.load %arg6[%swap3A_84, %swap3A_85] : memref<1024x256xf32, #tpu.memory_space<vmem>>, vector<1024x256xf32>
      tpu.vector_store %arg6[%swap3A_84, %swap3A_85], %div3A_83 {strides = array<i32>} : memref<1024x256xf32, #tpu.memory_space<vmem>>, vector<1024x256xf32>,
      %concatenate3A_87 = tpu.concatenate %max3A_81, %broadcast_in_dim3A_77 in 1 : vector<1024x1xf32>, vector<1024x1xf32> -> vector<1024x2xf32>
      %swap3A_88 = arith.constant 0 : index
      %swap3A_89 = arith.constant 0 : index
      %swap3A_90 = vector.load %arg7[%swap3A_88, %swap3A_89] : memref<1024x2xf32, #tpu.memory_space<vmem>>, vector<1024x2xf32>
      tpu.vector_store %arg7[%swap3A_88, %swap3A_89], %concatenate3A_87 {strides = array<i32>} : memref<1024x2xf32, #tpu.memory_space<vmem>>, vector<1024x2xf32>,
      %broadcast_in_dim3A_91 = arith.constant 0.000000e+00 : f32
      %broadcast_in_dim3A_92 = vector.broadcast %broadcast_in_dim3A_91 : f32 to vector<2x1024xf32>
      %swap3A_93 = arith.constant 0 : index
      %swap3A_94 = arith.constant 0 : index
      %swap3A_95 = vector.load %arg8[%swap3A_93, %swap3A_94] : memref<2x1024xf32, #tpu.memory_space<vmem>>, vector<2x1024xf32>
      tpu.vector_store %arg8[%swap3A_93, %swap3A_94], %broadcast_in_dim3A_92 {strides = array<i32>} : memref<2x1024xf32, #tpu.memory_space<vmem>>, vector<2x1024xf32>,
      %swap3A_96 = arith.constant 0.000000e+00 : f32
      %swap3A_97 = arith.constant 0 : index
      %swap3A_98 = arith.constant 0 : index
      %swap3A_99 = memref.load %arg9[%swap3A_97, %swap3A_98] : memref<1x1xf32, #tpu.memory_space<smem>>
      memref.store %swap3A_96, %arg9[%swap3A_97, %swap3A_98] : memref<1x1xf32, #tpu.memory_space<smem>>
      %iota3A = tpu.iota {dimensions = array<i32: 1>} : vector<3x1024xi32>
      %iota3A_100 = tpu.iota {dimensions = array<i32: 0>} : vector<3x1024xi32>
      %eq3A_101 = arith.constant 0 : i32
      %eq3A_102 = vector.broadcast %eq3A_101 : i32 to vector<3x1024xi32>
      %eq3A_103 = arith.cmpi eq, %iota3A_100, %eq3A_102 : vector<3x1024xi32>
      %shift_right_arithmetic3A = arith.constant 5 : i32
      %shift_right_arithmetic3A_104 = vector.broadcast %shift_right_arithmetic3A : i32 to vector<3x1024xi32>
      %shift_right_arithmetic3A_105 = arith.shrsi %iota3A, %shift_right_arithmetic3A_104 : vector<3x1024xi32>
      %eq3A_106 = arith.constant 1 : i32
      %eq3A_107 = vector.broadcast %eq3A_106 : i32 to vector<3x1024xi32>
      %eq3A_108 = arith.cmpi eq, %iota3A_100, %eq3A_107 : vector<3x1024xi32>
      %and3A = arith.constant 31 : i32
      %and3A_109 = vector.broadcast %and3A : i32 to vector<3x1024xi32>
      %and3A_110 = arith.andi %iota3A, %and3A_109 : vector<3x1024xi32>
      %jit3A_111 = arith.constant 1 : i32
      %broadcast_in_dim3A_112 = vector.broadcast %jit3A_111 : i32 to vector<3x1024xi32>
      %select_n3A_113 = arith.select %eq3A_108, %and3A_110, %broadcast_in_dim3A_112 : vector<3x1024xi1>, vector<3x1024xi32>
      %select_n3A_114 = arith.select %eq3A_103, %shift_right_arithmetic3A_105, %select_n3A_113 : vector<3x1024xi1>, vector<3x1024xi32>
      %convert_element_type3A_115 = arith.sitofp %select_n3A_114 : vector<3x1024xi32> to vector<3x1024xbf16>
      %swap3A_116 = arith.constant 0 : index
      %swap3A_117 = arith.constant 0 : index
      %swap3A_118 = vector.load %arg10[%swap3A_116, %swap3A_117] : memref<3x1024xbf16, #tpu.memory_space<vmem>>, vector<3x1024xbf16>
      tpu.vector_store %arg10[%swap3A_116, %swap3A_117], %convert_element_type3A_115 {strides = array<i32>} : memref<3x1024xbf16, #tpu.memory_space<vmem>>, vector<3x1024xbf16>,
    } else {
    }
    %get3A = arith.constant 0 : index
    %get3A_2 = arith.constant 0 : index
    %get3A_3 = vector.load %arg1[%get3A, %get3A_2] : memref<4096x256xf32, #tpu.memory_space<vmem>>, vector<4096x256xf32>
    %mul3A = arith.mulf %get3A_3, %get3A_3 : vector<4096x256xf32>
    %reduce_sum3A = arith.constant dense<0.000000e+00> : vector<4096xf32>
    %reduce_sum3A_4 = vector.multi_reduction <add>, %mul3A, %reduce_sum3A [1] : vector<4096x256xf32> to vector<4096xf32>
    %broadcast_in_dim3A = vector.shape_cast %reduce_sum3A_4 : vector<4096xf32> to vector<4096x1xf32>
    %sqrt3A = math.sqrt %broadcast_in_dim3A : vector<4096x1xf32>
    %max3A = arith.constant 9.99999996E-13 : f32
    %max3A_5 = vector.broadcast %max3A : f32 to vector<4096x1xf32>
    %max3A_6 = arith.maximumf %sqrt3A, %max3A_5 : vector<4096x1xf32>
    %div3A = vector.broadcast %max3A_6 : vector<4096x1xf32> to vector<4096x256xf32>
    %div3A_7 = arith.divf %get3A_3, %div3A : vector<4096x256xf32>
    %get3A_8 = arith.constant 0 : index
    %get3A_9 = arith.constant 0 : index
    %get3A_10 = vector.load %arg6[%get3A_8, %get3A_9] : memref<1024x256xf32, #tpu.memory_space<vmem>>, vector<1024x256xf32>
    %dot_general3A = arith.constant dense<0.000000e+00> : vector<4096x1024xf32>
    %dot_general3A_11 = tpu.matmul %div3A_7, %get3A_10, %dot_general3A {dimension_numbers = #tpu.dot_dimension_numbers<[1], [1], [0], [0], [0, 0, 1, 0], [], []>, transpose_lhs_hint = false} : vector<4096x256xf32>, vector<1024x256xf32>, vector<4096x1024xf32> -> vector<4096x1024xf32>
    %sub3A = arith.constant 1.000000e+00 : f32
    %sub3A_12 = vector.broadcast %sub3A : f32 to vector<4096x1024xf32>
    %sub3A_13 = arith.subf %sub3A_12, %dot_general3A_11 : vector<4096x1024xf32>
    %reduce_min3A = arith.constant dense<0x7F800000> : vector<4096xf32>
    %reduce_min3A_14 = vector.multi_reduction <minimumf>, %sub3A_13, %reduce_min3A [1] : vector<4096x1024xf32> to vector<4096xf32>
    %broadcast_in_dim3A_15 = vector.shape_cast %reduce_min3A_14 : vector<4096xf32> to vector<4096x1xf32>
    %sub3A_16 = arith.constant 1.000000e+00 : f32
    %sub3A_17 = vector.broadcast %sub3A_16 : f32 to vector<4096x1xf32>
    %sub3A_18 = arith.subf %sub3A_17, %broadcast_in_dim3A_15 : vector<4096x1xf32>
    %eq3A_19 = vector.broadcast %broadcast_in_dim3A_15 : vector<4096x1xf32> to vector<4096x1024xf32>
    %eq3A_20 = arith.cmpf oeq, %sub3A_13, %eq3A_19 : vector<4096x1024xf32>
    %jit3A = arith.constant 1.000000e+00 : f32
    %jit3A_21 = arith.constant 0.000000e+00 : f32
    %broadcast_in_dim3A_22 = vector.broadcast %jit3A : f32 to vector<4096x1024xf32>
    %broadcast_in_dim3A_23 = vector.broadcast %jit3A_21 : f32 to vector<4096x1024xf32>
    %select_n3A = arith.select %eq3A_20, %broadcast_in_dim3A_22, %broadcast_in_dim3A_23 : vector<4096x1024xi1>, vector<4096x1024xf32>
    %convert_element_type3A_24 = arith.truncf %select_n3A : vector<4096x1024xf32> to vector<4096x1024xbf16>
    %get3A_25 = arith.constant 0 : index
    %get3A_26 = arith.constant 0 : index
    %get3A_27 = vector.load %arg10[%get3A_25, %get3A_26] : memref<3x1024xbf16, #tpu.memory_space<vmem>>, vector<3x1024xbf16>
    %dot_general3A_28 = arith.constant dense<0.000000e+00> : vector<3x4096xf32>
    %dot_general3A_29 = tpu.matmul %get3A_27, %convert_element_type3A_24, %dot_general3A_28 {dimension_numbers = #tpu.dot_dimension_numbers<[1], [1], [0], [0], [0, 0, 1, 0], [], []>, transpose_lhs_hint = false} : vector<3x1024xbf16>, vector<4096x1024xbf16>, vector<3x4096xf32> -> vector<3x4096xf32>
    %slice3A = vector.extract_strided_slice %dot_general3A_29 {offsets = [0, 0], sizes = [1, 4096], strides = [1, 1]} : vector<3x4096xf32> to vector<1x4096xf32>
    %slice3A_30 = vector.extract_strided_slice %dot_general3A_29 {offsets = [1, 0], sizes = [1, 4096], strides = [1, 1]} : vector<3x4096xf32> to vector<1x4096xf32>
    %slice3A_31 = vector.extract_strided_slice %dot_general3A_29 {offsets = [2, 0], sizes = [1, 4096], strides = [1, 1]} : vector<3x4096xf32> to vector<1x4096xf32>
    %mul3A_32 = arith.constant 3.200000e+01 : f32
    %mul3A_33 = vector.broadcast %mul3A_32 : f32 to vector<1x4096xf32>
    %mul3A_34 = arith.mulf %slice3A, %mul3A_33 : vector<1x4096xf32>
    %add3A = arith.addf %mul3A_34, %slice3A_30 : vector<1x4096xf32>
    %div3A_35 = arith.divf %add3A, %slice3A_31 : vector<1x4096xf32>
    %round3A = math.roundeven %div3A_35 : vector<1x4096xf32>
    %convert_element_type3A_36 = arith.fptosi %round3A : vector<1x4096xf32> to vector<1x4096xi32>
    %reshape3A = vector.shape_cast %convert_element_type3A_36 : vector<1x4096xi32> to vector<1x1x4096xi32>
    %swap3A = arith.constant 0 : index
    %swap3A_37 = arith.constant 0 : index
    %swap3A_38 = arith.constant 0 : index
    %swap3A_39 = vector.load %arg3[%swap3A, %swap3A_37, %swap3A_38] : memref<1x1x4096xi32, #tpu.memory_space<vmem>>, vector<1x1x4096xi32>
    tpu.vector_store %arg3[%swap3A, %swap3A_37, %swap3A_38], %reshape3A {strides = array<i32>} : memref<1x1x4096xi32, #tpu.memory_space<vmem>>, vector<1x1x4096xi32>,
    %broadcast_in_dim3A_40 = arith.constant 1.000000e+00 : f32
    %broadcast_in_dim3A_41 = vector.broadcast %broadcast_in_dim3A_40 : f32 to vector<1x4096xf32>
    %reshape3A_42 = vector.shape_cast %sub3A_18 : vector<4096x1xf32> to vector<1x4096xf32>
    %concatenate3A = tpu.concatenate %broadcast_in_dim3A_41, %reshape3A_42 in 0 : vector<1x4096xf32>, vector<1x4096xf32> -> vector<2x4096xf32>
    %convert_element_type3A_43 = arith.truncf %concatenate3A : vector<2x4096xf32> to vector<2x4096xbf16>
    %get3A_44 = arith.constant 0 : index
    %get3A_45 = arith.constant 0 : index
    %get3A_46 = vector.load %arg8[%get3A_44, %get3A_45] : memref<2x1024xf32, #tpu.memory_space<vmem>>, vector<2x1024xf32>
    %dot_general3A_47 = arith.constant dense<0.000000e+00> : vector<2x1024xf32>
    %dot_general3A_48 = tpu.matmul %convert_element_type3A_43, %convert_element_type3A_24, %dot_general3A_47 {dimension_numbers = #tpu.dot_dimension_numbers<[1], [0], [0], [1], [0, 0, 1, 1], [], []>, transpose_lhs_hint = false} : vector<2x4096xbf16>, vector<4096x1024xbf16>, vector<2x1024xf32> -> vector<2x1024xf32>
    %add3A_49 = arith.addf %get3A_46, %dot_general3A_48 : vector<2x1024xf32>
    %swap3A_50 = arith.constant 0 : index
    %swap3A_51 = arith.constant 0 : index
    %swap3A_52 = vector.load %arg8[%swap3A_50, %swap3A_51] : memref<2x1024xf32, #tpu.memory_space<vmem>>, vector<2x1024xf32>
    tpu.vector_store %arg8[%swap3A_50, %swap3A_51], %add3A_49 {strides = array<i32>} : memref<2x1024xf32, #tpu.memory_space<vmem>>, vector<2x1024xf32>,
    %get3A_53 = arith.constant 0 : index
    %get3A_54 = arith.constant 0 : index
    %get3A_55 = memref.load %arg9[%get3A_53, %get3A_54] : memref<1x1xf32, #tpu.memory_space<smem>>
    %mul3A_56 = arith.mulf %div3A_7, %div3A_7 : vector<4096x256xf32>
    %reduce_sum3A_57 = vector.shape_cast %mul3A_56 : vector<4096x256xf32> to vector<1x4096x256xf32>
    %reduce_sum3A_58 = arith.constant dense<0.000000e+00> : vector<1xf32>
    %reduce_sum3A_59 = vector.multi_reduction <add>, %reduce_sum3A_57, %reduce_sum3A_58 [1, 2] : vector<1x4096x256xf32> to vector<1xf32>
    %reduce_sum3A_60 = vector.shape_cast %reduce_sum3A_59 : vector<1xf32> to vector<1x1x1xf32>
    %reduce_sum3A_61 = vector.extract %reduce_sum3A_60[0, 0, 0] : f32 from vector<1x1x1xf32>
    %add3A_62 = arith.addf %get3A_55, %reduce_sum3A_61 : f32
    %swap3A_63 = arith.constant 0 : index
    %swap3A_64 = arith.constant 0 : index
    %swap3A_65 = memref.load %arg9[%swap3A_63, %swap3A_64] : memref<1x1xf32, #tpu.memory_space<smem>>
    memref.store %add3A_62, %arg9[%swap3A_63, %swap3A_64] : memref<1x1xf32, #tpu.memory_space<smem>>
    %eq3A_66 = arith.constant 3 : i32
    %eq3A_67 = arith.cmpi eq, %arg0, %eq3A_66 : i32
    %convert_element_type3A_68 = arith.extui %eq3A_67 : i1 to i32
    %cond3A_69 = arith.constant 0 : i32
    %cond3A_70 = arith.cmpi ne, %convert_element_type3A_68, %cond3A_69 : i32
    scf.if %cond3A_70 {
      %get3A_71 = arith.constant 0 : index
      %get3A_72 = arith.constant 0 : index
      %get3A_73 = vector.load %arg8[%get3A_71, %get3A_72] : memref<2x1024xf32, #tpu.memory_space<vmem>>, vector<2x1024xf32>
      %get3A_74 = arith.constant 0 : index
      %get3A_75 = arith.constant 0 : index
      %get3A_76 = vector.load %arg7[%get3A_74, %get3A_75] : memref<1024x2xf32, #tpu.memory_space<vmem>>, vector<1024x2xf32>
      %dot_general3A_77 = arith.constant dense<0.000000e+00> : vector<2x2xf32>
      %dot_general3A_78 = tpu.matmul %get3A_73, %get3A_76, %dot_general3A_77 {dimension_numbers = #tpu.dot_dimension_numbers<[1], [0], [0], [1], [0, 0, 1, 1], [], []>, precision = #tpu.contract_precision<fp32>, transpose_lhs_hint = false} : vector<2x1024xf32>, vector<1024x2xf32>, vector<2x2xf32> -> vector<2x2xf32>
      %iota3A = tpu.iota {dimensions = array<i32: 0>} : vector<2x2xi32>
      %iota3A_79 = tpu.iota {dimensions = array<i32: 1>} : vector<2x2xi32>
      %eq3A_80 = arith.constant 0 : i32
      %eq3A_81 = vector.broadcast %eq3A_80 : i32 to vector<2x2xi32>
      %eq3A_82 = arith.cmpi eq, %iota3A, %eq3A_81 : vector<2x2xi32>
      %eq3A_83 = arith.constant 1 : i32
      %eq3A_84 = vector.broadcast %eq3A_83 : i32 to vector<2x2xi32>
      %eq3A_85 = arith.cmpi eq, %iota3A_79, %eq3A_84 : vector<2x2xi32>
      %and3A = arith.andi %eq3A_82, %eq3A_85 : vector<2x2xi1>
      %jit3A_86 = arith.constant 0.000000e+00 : f32
      %broadcast_in_dim3A_87 = vector.broadcast %jit3A_86 : f32 to vector<2x2xf32>
      %select_n3A_88 = arith.select %and3A, %dot_general3A_78, %broadcast_in_dim3A_87 : vector<2x2xi1>, vector<2x2xf32>
      %reduce_sum3A_89 = vector.shape_cast %select_n3A_88 : vector<2x2xf32> to vector<1x2x2xf32>
      %reduce_sum3A_90 = arith.constant dense<0.000000e+00> : vector<1xf32>
      %reduce_sum3A_91 = vector.multi_reduction <add>, %reduce_sum3A_89, %reduce_sum3A_90 [1, 2] : vector<1x2x2xf32> to vector<1xf32>
      %reduce_sum3A_92 = vector.shape_cast %reduce_sum3A_91 : vector<1xf32> to vector<1x1x1xf32>
      %reduce_sum3A_93 = vector.extract %reduce_sum3A_92[0, 0, 0] : f32 from vector<1x1x1xf32>
      %eq3A_94 = arith.constant 1 : i32
      %eq3A_95 = vector.broadcast %eq3A_94 : i32 to vector<2x2xi32>
      %eq3A_96 = arith.cmpi eq, %iota3A, %eq3A_95 : vector<2x2xi32>
      %eq3A_97 = arith.constant 0 : i32
      %eq3A_98 = vector.broadcast %eq3A_97 : i32 to vector<2x2xi32>
      %eq3A_99 = arith.cmpi eq, %iota3A_79, %eq3A_98 : vector<2x2xi32>
      %and3A_100 = arith.andi %eq3A_96, %eq3A_99 : vector<2x2xi1>
      %jit3A_101 = arith.constant 0.000000e+00 : f32
      %broadcast_in_dim3A_102 = vector.broadcast %jit3A_101 : f32 to vector<2x2xf32>
      %select_n3A_103 = arith.select %and3A_100, %dot_general3A_78, %broadcast_in_dim3A_102 : vector<2x2xi1>, vector<2x2xf32>
      %reduce_sum3A_104 = vector.shape_cast %select_n3A_103 : vector<2x2xf32> to vector<1x2x2xf32>
      %reduce_sum3A_105 = arith.constant dense<0.000000e+00> : vector<1xf32>
      %reduce_sum3A_106 = vector.multi_reduction <add>, %reduce_sum3A_104, %reduce_sum3A_105 [1, 2] : vector<1x2x2xf32> to vector<1xf32>
      %reduce_sum3A_107 = vector.shape_cast %reduce_sum3A_106 : vector<1xf32> to vector<1x1x1xf32>
      %reduce_sum3A_108 = vector.extract %reduce_sum3A_107[0, 0, 0] : f32 from vector<1x1x1xf32>
      %get3A_109 = arith.constant 0 : index
      %get3A_110 = arith.constant 0 : index
      %get3A_111 = memref.load %arg9[%get3A_109, %get3A_110] : memref<1x1xf32, #tpu.memory_space<smem>>
      %mul3A_112 = arith.constant 2.000000e+00 : f32
      %mul3A_113 = arith.mulf %mul3A_112, %reduce_sum3A_108 : f32
      %sub3A_114 = arith.subf %get3A_111, %mul3A_113 : f32
      %add3A_115 = arith.addf %sub3A_114, %reduce_sum3A_93 : f32
      %mul3A_116 = arith.constant 2.500000e-01 : f32
      %mul3A_117 = arith.mulf %mul3A_116, %add3A_115 : f32
      %div3A_118 = arith.constant 0x4A800000 : f32
      %div3A_119 = arith.divf %mul3A_117, %div3A_118 : f32
      %swap3A_120 = arith.constant 0 : index
      %swap3A_121 = arith.constant 0 : index
      %swap3A_122 = memref.load %arg4[%swap3A_120, %swap3A_121] : memref<1x1xf32, #tpu.memory_space<smem>>
      memref.store %div3A_119, %arg4[%swap3A_120, %swap3A_121] : memref<1x1xf32, #tpu.memory_space<smem>>
      %slice3A_123 = vector.extract_strided_slice %get3A_73 {offsets = [0, 0], sizes = [1, 1024], strides = [1, 1]} : vector<2x1024xf32> to vector<1x1024xf32>
      %mul3A_124 = arith.constant 6.10351563E-5 : f32
      %mul3A_125 = vector.broadcast %mul3A_124 : f32 to vector<1x1024xf32>
      %mul3A_126 = arith.mulf %slice3A_123, %mul3A_125 : vector<1x1024xf32>
      %add3A_127 = arith.constant 1.000000e-10 : f32
      %add3A_128 = vector.broadcast %add3A_127 : f32 to vector<1x1024xf32>
      %add3A_129 = arith.addf %mul3A_126, %add3A_128 : vector<1x1024xf32>
      %log3A = math.log %add3A_129 : vector<1x1024xf32>
      %mul3A_130 = arith.mulf %mul3A_126, %log3A : vector<1x1024xf32>
      %reduce_sum3A_131 = vector.shape_cast %mul3A_130 : vector<1x1024xf32> to vector<1x1x1024xf32>
      %reduce_sum3A_132 = arith.constant dense<0.000000e+00> : vector<1xf32>
      %reduce_sum3A_133 = vector.multi_reduction <add>, %reduce_sum3A_131, %reduce_sum3A_132 [1, 2] : vector<1x1x1024xf32> to vector<1xf32>
      %reduce_sum3A_134 = vector.shape_cast %reduce_sum3A_133 : vector<1xf32> to vector<1x1x1xf32>
      %reduce_sum3A_135 = vector.extract %reduce_sum3A_134[0, 0, 0] : f32 from vector<1x1x1xf32>
      %neg3A = arith.constant 0.000000e+00 : f32
      %neg3A_136 = arith.subf %neg3A, %reduce_sum3A_135 : f32
      %exp3A = math.exp %neg3A_136 : f32
      %swap3A_137 = arith.constant 0 : index
      %swap3A_138 = arith.constant 0 : index
      %swap3A_139 = memref.load %arg5[%swap3A_137, %swap3A_138] : memref<1x1xf32, #tpu.memory_space<smem>>
      memref.store %exp3A, %arg5[%swap3A_137, %swap3A_138] : memref<1x1xf32, #tpu.memory_space<smem>>
    } else {
    }
    return
  }
  func.func @transform_0(%arg0: i32) -> (i32, i32) {
    %c0_i32 = arith.constant 0 : i32
    %c0_i32_0 = arith.constant 0 : i32
    return %arg0, %c0_i32 : i32, i32
  }
  func.func @transform_1(%arg0: i32) -> (i32, i32) {
    %c0_i32 = arith.constant 0 : i32
    %c0_i32_0 = arith.constant 0 : i32
    %c0_i32_1 = arith.constant 0 : i32
    return %c0_i32, %c0_i32_0 : i32, i32
  }
  func.func @transform_2(%arg0: i32) -> (i32, i32, i32) {
    %c0_i32 = arith.constant 0 : i32
    %c0_i32_0 = arith.constant 0 : i32
    %c0_i32_1 = arith.constant 0 : i32
    return %arg0, %c0_i32, %c0_i32_0 : i32, i32, i32
  }
  func.func @transform_3(%arg0: i32) -> (i32, i32) {
    %c0_i32 = arith.constant 0 : i32
    %c0_i32_0 = arith.constant 0 : i32
    %c0_i32_1 = arith.constant 0 : i32
    return %c0_i32, %c0_i32_0 : i32, i32
  }
  func.func @transform_4(%arg0: i32) -> (i32, i32) {
    %c0_i32 = arith.constant 0 : i32
    %c0_i32_0 = arith.constant 0 : i32
    %c0_i32_1 = arith.constant 0 : i32
    return %c0_i32, %c0_i32_0 : i32, i32
  }
}

</mosaic_0001>

<sc_bundles>
// kernel: kernel.4.cloned.1.call-start
scs
__scs_entry_jumppad:
0x0: {  	(pc) =	sbr.rel $0x88, $3  }
0x1: {  	(tag) =	ssettag $0x0;
	lr =	simm.s32 $0x1  }
0x2: {  	[smem:$0x3F9F] =	sst lr;
	_ =	strace $0xD0000000  }
0x3: {  	_ = 	snop  }
0x4: {  	_ = 	snop  }
0x5: {  	_ = 	snop  }
0x6: {  	_ = 	snop  }
0x7: {  	_ = 	snop  }
__scs_overlays_trampoline_lowered:
0x8: {  	[smem:$0x3FAE] =	sst s0  }
0x9: {  	[smem:$0x3FAF] =	sst s1  }
0xa: {  	[smem:$0x3FB0] =	sst s2  }
0xb: {  	[smem:$0x3FB1] =	sst s3  }
0xc: {  	[smem:$0x3FB2] =	sst s4  }
0xd: {  	[smem:$0x3FB3] =	sst s5  }
0xe: {  	[smem:$0x3FB4] =	sst s6  }
0xf: {  	[smem:$0x3FB5] =	sst s7  }
0x10: {  	[smem:$0x3FB6] =	sst s8  }
0x11: {  	[smem:$0x3FB7] =	sst s9;
	s0 =	simm.s32 @!p0 $0x0  }
0x12: {  	s1 =	sld [smem:$0x3F9D];
	s0 =	simm.s32 @p0 $0x1  }
0x13: {  	[smem:$0x3FB8] =	sst s0;
	s0 =	simm.s32 @!p1 $0x0  }
0x14: {  	s2 =	sld [smem:$0x3F9C];
	s0 =	simm.s32 @p1 $0x1  }
0x15: {  	[smem:$0x3FB9] =	sst s0;
	s0 =	simm.s32 @!p2 $0x0  }
0x16: {  	s3 =	sld [smem:$0x3FDB];
	s0 =	simm.s32 @p2 $0x1  }
0x17: {  	s4 =	simm.s32 $0x1BF5;
	[smem:$0x3FBB] =	sst s0  }
0x18: {  	s0 =	sld [smem:$0x3F9E];
	_ =	swait.ge [sflag:s4], $0x0  }
0x19: {  	s7 =	sld [smem:$0x3F9F]  }
0x1a: {  	s8 =	sadd.s32 $0xFFFFE003, lr  }
0x1b: {  	s9 =	sadd.s32 $0xFFFFFEF7, lr;
	s5 =	simm.s32 $0xFFFFFFFF;
	p2 =	slt.u32 s8, $0xFFFFF086  }
0x1c: {  	p1 =	slt.u32 s9, $0xF7A;
	s5 =	simm.s32 @!p2 $0x0  }
0x1d: {  	s5 =	simm.s32 @p1 $0x1;
	p0 =	seq.s32 s7, s2  }
0x1e: {  	s7 =	smul.u32 @!p0 $0xF7A, s2;
	p2 =	seq.s32 @!p0 s5, $0x0  }
0x1f: {  	s9 =	smul.u32 $0xF7A, s1;
	s8 =	simm.s32 @!p0 $0x1BF5;
	p2 =	por !p2, p0  }
0x20: {  	[sflag:s8] =	ssyncset.s32 @!p0 $0xFFFFF086;
	s6 =	sadd.s32 @!p0 s3, s7;
	s7 =	simm.s32 @!p0 $0x108  }
0x21: {  	s3 =	sadd.s32 s3, s9;
	s6 =	sadd.s32 @!p0 $0x88, s6;
	s7 =	simm.s32 @p2 $0x1082  }
0x22: {  	[simem:s7], [sflag:s8] =	dma.local @!p0 [hbm:s6], $0xF7A  }
0x23: {  	s9 =	sor.u32 $0xD0000000, s2;
	s6 =	simm.s32 $0x108;
	_ =	swait.ge @!p0 [sflag:s8], $0x0  }
0x24: {  	s3 =	sadd.s32 $0x88, s3;
	s6 =	simm.s32 @!p1 $0x1082;
	[sflag:s4] =	ssyncset.s32 $0xFFFFF086  }
0x25: {  	[simem:s6], [sflag:s4] =	dma.local [hbm:s3], $0xF7A  }
0x26: {  	[smem:$0x3F9F] =	sst s1;
	(tag) =	ssettag s2;
	_ =	strace s9  }
0x27: {  	s1 =	sld [smem:$0x3FAF]  }
0x28: {  	s2 =	sld [smem:$0x3FB0]  }
0x29: {  	s4 =	sld [smem:$0x3FB2]  }
0x2a: {  	p0 =	seq.s32 s5, $0x0;
	s5 =	sld [smem:$0x3FB3]  }
0x2b: {  	s6 =	sld [smem:$0x3FB4]  }
0x2c: {  	s7 =	sld [smem:$0x3FB5]  }
0x2d: {  	s3 =	simm.s32 $0x108;
	s8 =	sld [smem:$0x3FB6]  }
0x2e: {  	s3 =	simm.s32 @!p0 $0x1082;
	s9 =	sld [smem:$0x3FB7]  }
0x2f: {  	lr =	sadd.s32 s0, s3;
	s0 =	sld [smem:$0x3FAE]  }
0x30: {  	s3 =	sld [smem:$0x3FB1]  }
0x31: {  	[smem:$0x3FBA] =	sst s10  }
0x32: {  	s10 =	sld [smem:$0x3FB8];
	_ =	sdelay $0x3  }
0x33: {  	p0 =	seq.s32 s10, $0x1;
	s10 =	sld [smem:$0x3FBA];
	_ =	sdelay $0x3  }
0x34: {  	[smem:$0x3FBA] =	sst s10  }
0x35: {  	s10 =	sld [smem:$0x3FB9];
	_ =	sdelay $0x3  }
0x36: {  	p1 =	seq.s32 s10, $0x1;
	s10 =	sld [smem:$0x3FBA];
	_ =	sdelay $0x3  }
0x37: {  	[smem:$0x3FBA] =	sst s10  }
0x38: {  	s10 =	sld [smem:$0x3FBB]  }
0x39: {  	_ = 	snop;
	(pc) =	sbr.ind lr, $3  }
0x3a: {  	_ = 	snop  }
0x3b: {  	_ = 	snop  }
0x3c: {  	p2 =	seq.s32 s10, $0x1;
	s10 =	sld [smem:$0x3FBA]  }
0x3d: {  	_ =	shalt  }
0x3e: {  	_ =	shalt  }
0x3f: {  	_ =	shalt  }
0x40: {  	_ =	shalt  }
0x41: {  	_ =	shalt  }
0x42: {  	_ =	shalt  }
0x43: {  	_ =	shalt  }
0x44: {  	_ =	shalt  }
0x45: {  	_ =	shalt  }
0x46: {  	_ =	shalt  }
0x47: {  	_ =	shalt  }
0x48: {  	_ =	shalt  }
0x49: {  	_ =	shalt  }
0x4a: {  	_ =	shalt  }
0x4b: {  	_ =	shalt  }
0x4c: {  	_ =	shalt  }
0x4d: {  	_ =	shalt  }
0x4e: {  	_ =	shalt  }
0x4f: {  	_ =	shalt  }
0x50: {  	_ =	shalt  }
0x51: {  	_ =	shalt  }
0x52: {  	_ =	shalt  }
0x53: {  	_ =	shalt  }
0x54: {  	_ =	shalt  }
0x55: {  	_ =	shalt  }
0x56: {  	_ =	shalt  }
0x57: {  	_ =	shalt  }
0x58: {  	_ =	shalt  }
0x59: {  	_ =	shalt  }
0x5a: {  	_ =	shalt  }
0x5b: {  	_ =	shalt  }
0x5c: {  	_ =	shalt  }
0x5d: {  	_ =	shalt  }
0x5e: {  	_ =	shalt  }
0x5f: {  	_ =	shalt  }
0x60: {  	_ =	shalt  }
0x61: {  	_ =	shalt  }
0x62: {  	_ =	shalt  }
0x63: {  	_ =	shalt  }
0x64: {  	_ =	shalt  }
0x65: {  	_ =	shalt  }
0x66: {  	_ =	shalt  }
0x67: {  	_ =	shalt  }
0x68: {  	_ =	shalt  }
0x69: {  	_ =	shalt  }
0x6a: {  	_ =	shalt  }
0x6b: {  	_ =	shalt  }
0x6c: {  	_ =	shalt  }
0x6d: {  	_ =	shalt  }
0x6e: {  	_ =	shalt  }
0x6f: {  	_ =	shalt  }
0x70: {  	_ =	shalt  }
0x71: {  	_ =	shalt  }
0x72: {  	_ =	shalt  }
0x73: {  	_ =	shalt  }
0x74: {  	_ =	shalt  }
0x75: {  	_ =	shalt  }
0x76: {  	_ =	shalt  }
0x77: {  	_ =	shalt  }
0x78: {  	_ =	shalt  }
0x79: {  	_ =	shalt  }
0x7a: {  	_ =	shalt  }
0x7b: {  	_ =	shalt  }
0x7c: {  	_ =	shalt  }
0x7d: {  	_ =	shalt  }
0x7e: {  	_ =	shalt  }
0x7f: {  	_ =	shalt  }
0x80: {  	_ =	shalt  }
0x81: {  	_ =	shalt  }
0x82: {  	_ =	shalt  }
0x83: {  	_ =	shalt  }
0x84: {  	_ =	shalt  }
0x85: {  	_ =	shalt  }
0x86: {  	_ =	shalt  }
0x87: {  	_ =	shalt  }
.Lfunc_end0:
.L_simem_size_0:
called_computation_lowered:
.L_overlay_start_0:
0x88: {  	s2 =	sld [smem:$0x3FD9]  }
0x89: {  	s3 =	sld [smem:$0x3FFE];
	_ =	sdelay $0x1  }
0x8a: {  	s1 =	srdreg.scid  }
0x8b: {  	s0 =	sand.u32 $0x1, s1  }
0x8c: {  	s15 =	sshll.u32 s0, $0xA;
	s2 =	sadd.s32 s3, s2  }
0x8d: {  	s2 =	sadd.s32 s2, s15  }
0x8e: {  	[smem:$0x3FC6] =	sst s2  }
0x8f: {  	_ = 	snop  }
0x90: {  	s2 =	sld [smem:$0x3FD0];
	_ =	sdelay $0x2  }
0x91: {  	s4 =	simm.s32 $0xA;
	s5 =	simm.s32 $0x10;
	s16 =	sld [smem:$0x3FC8]  }
0x92: {  	[smem:s5], [sflag:s4] =	dma.local [hbm:s2], $0x1  }
0x93: {  	_ =	swait.eq [sflag:s4], $0x1  }
0x94: {  	[sflag:s4] =	ssyncset.done $0x0  }
0x95: {  	s17 =	sld [smem:$0x10];
	[sflag:s4] =	ssyncadd.s32 $0xFFFFFFFF  }
0x96: {  	s18 =	sld [smem:$0x11];
	(tm) =	ssettm $0x1  }
0x97: {  	s19 =	sld [smem:$0x3FFB];
	_ =	sdelay $0x3  }
0x98: {  	_ =	strace s19  }
0x99: {  	s5 =	sld [smem:$0x3FFC];
	_ =	sdelay $0x3  }
0x9a: {  	_ =	strace s5  }
0x9b: {  	s5 =	sld [smem:$0x3FFD];
	_ =	sdelay $0x3  }
0x9c: {  	_ =	strace s5  }
0x9d: {  	_ =	strace $0x8FFFFFFF  }
0x9e: {  	s20 =	sld [smem:$0x3FDB];
	_ =	sdelay $0x1  }
0x9f: {  	s6 =	simm.s32 $_scs_section_size  }
0xa0: {  	s7 =	simm.s32 $_size__tile_overlayer_lowered;
	s8 =	simm.s32 $_tile_overlayer_lowered  }
0xa1: {  	s23 =	simm.s32 $0x1BFF;
	s22 =	sshll.u32 s8, $0x1;
	s5 =	sadd.s32 s6, s20  }
0xa2: {  	s9 =	simm.s32 $0x0;
	s21 =	sshll.u32 s7, $0x1;
	s7 =	sadd.s32 s22, s5  }
0xa3: {  	[timem:s9], [sflag:s23] =	dma.local [hbm:s7], s21  }
0xa4: {  	_ =	swait.ge [sflag:s23], s21  }
0xa5: {  	s6 =	ssub.s32 $0x0, s21;
	[sflag:s23] =	ssyncset.done $0x0  }
0xa6: {  	[sflag:s23] =	ssyncadd.s32 s6;
	_ =	sdelay $0x1  }
0xa7: {  	s24 =	simm.s32 $0x1B8B  }
0xa8: {  	_ =	swait.ge [sflag:s24], $0x1  }
0xa9: {  	[sflag:s24] =	ssyncset.done $0x0  }
0xaa: {  	s25 =	simm.s32 $0x1B8E;
	[sflag:s24] =	ssyncadd.s32 $0xFFFFFFFF  }
0xab: {  	s26 =	simm.s32 $execute0_lowered;
	[smem:$0x3FD2] =	sst s25  }
0xac: {  	s6 =	sshll.u32 s26, $0x1;
	_ =	strace $0x80000046;
	[dreg:$0x1] =	wrdreg $0xFFFFFFFF  }
0xad: {  	s28 =	simm.s32 $_size_execute0_lowered;
	s5 =	sadd.s32 s5, s6;
	[dreg:$0x0] =	wrdreg $0x0  }
0xae: {  	s6 =	sshll.u32 s28, $0x1;
	[dreg:$0x2] =	wrdreg s5  }
0xaf: {  	[dreg:$0x3] =	wrdreg s6  }
0xb0: {  	[dreg:$0x4] =	wrdreg $0xC0  }
0xb1: {  	_ =	task [dreg:s9], $0x5FFFF  }
0xb2: {  	[dreg:$0x1] =	wrdreg $0xFFFFFFFF  }
0xb3: {  	[dreg:$0x0] =	wrdreg $0x60  }
0xb4: {  	[dreg:$0x2] =	wrdreg s16  }
0xb5: {  	[dreg:$0x3] =	wrdreg s18  }
0xb6: {  	[dreg:$0x4] =	wrdreg s17  }
0xb7: {  	[dreg:$0x5] =	wrdreg $0x9  }
0xb8: {  	_ =	task.clear_ibuf [dreg:s9], $0x6FFFF;
	_ =	strace $0x90000046  }
0xb9: {  	s29 =	simm.s32 $0x9;
	_ =	strace $0x80000048  }
0xba: {  	_ =	swait.ge [sflag:s29], $0x1  }
0xbb: {  	[sflag:s29] =	ssyncadd.s32 $0xFFFFFFFF  }
0xbc: {  	_ =	strace $0x90000048  }
0xbd: {  	_ =	sfence  }
0xbe: {  	s30 =	sld [smem:$0x0];
	_ =	sdelay $0x2  }
0xbf: {  	s31 =	sshll.u32 s1, $0xD;
	s1 =	sshrl.u32 s1, $0x2  }
0xc0: {  	s3 =	sand.u32 $0x4000, s31;
	s1 =	sadd.s32 s1, s30  }
0xc1: {  	s0 =	sor.u32 s3, s0;
	s1 =	sshll.u32 s1, $0x11  }
0xc2: {  	s0 =	sor.u32 s1, s0  }
0xc3: {  	s0 =	sadd.s32 $0x8F2B, s0  }
0xc4: {  	[sflag:s0] =	ssyncadd.remote.s32 $0x1  }
0xc5: {  	_ =	sfence.sel $0xFFFF  }
0xc6: {  	[dreg:$0x0] =	wrdreg $0xFFFFFFFF;
	(pc) =	sbr.abs _section_cstart, $3  }
0xc7: {  	[dreg:$0x1] =	wrdreg $0xFFFFFFFF  }
0xc8: {  	_ =	task.clear_ibuf [dreg:s9], $0x2FFFF;
	_ =	strace $0x9FFFFFFF  }
0xc9: {  	(tm) =	ssettm $0x7FFFFFFF  }
tec
execute0_lowered:
.L_overlay_start_1:
0x0: {  	(tag) =	ssettag $0x1  }
0x1: {  	s1 =	rddreg [dreg:$0x0]  }
0x2: {  	s0 =	rddreg [dreg:$0x1]  }
0x3: {  	s4 =	rddreg [dreg:$0x2];
	s3 =	simm.s32 $0x0  }
0x4: {  	s5 =	srdreg.scid;
	s2 =	stileid.u32;
	s22 =	simm.s32 $0x8A00  }
0x5: {  	s23 =	simm.s32 $0x9200;
	s24 =	simm.s32 $0x9A00;
	s25 =	simm.s32 $0xA200  }
0x6: {  	s10 =	simm.s32 $0xCA00;
	s11 =	simm.s32 $0xD200;
	[smem:$0x7FF] =	sst s3  }
0x7: {  	s12 =	simm.s32 $0xDA00;
	_ =	strace $0x80000047;
	[dreg:$0x8] =	wrdreg s22  }
0x8: {  	s13 =	simm.s32 $0xE200;
	s14 =	simm.s32 $0xEA00;
	[dreg:$0x9] =	wrdreg s23  }
0x9: {  	s15 =	simm.s32 $0xF200;
	s7 =	sshll.u32 s2, $0xF;
	[dreg:$0xa] =	wrdreg s24  }
0xa: {  	s9 =	sshll.u32 s2, $0x7;
	s2 =	simm.s32 $0xAA00;
	[dreg:$0xb] =	wrdreg s25  }
0xb: {  	s16 =	simm.s32 $0xFA00;
	s17 =	simm.s32 $0x10A00;
	[dreg:$0xc] =	wrdreg s2  }
0xc: {  	s28 =	simm.s32 $0x16200;
	s29 =	simm.s32 $0x16A00;
	[dreg:$0x10] =	wrdreg s10  }
0xd: {  	s30 =	simm.s32 $0x17200;
	s5 =	sand.u32 $0x1, s5;
	[dreg:$0x11] =	wrdreg s11  }
0xe: {  	s31 =	simm.s32 $0x17A00;
	s6 =	sshll.u32 s5, $0x6;
	[dreg:$0x12] =	wrdreg s12  }
0xf: {  	s8 =	sshll.u32 s5, $0xE;
	s5 =	ssub.s32 $0x2, s5;
	[dreg:$0x13] =	wrdreg s13  }
0x10: {  	s10 =	simm.s32 $0x1A00;
	s11 =	simm.s32 $0x2200;
	[dreg:$0x14] =	wrdreg s14  }
0x11: {  	s12 =	simm.s32 $0x2A00;
	s13 =	simm.s32 $0x3200;
	[dreg:$0x15] =	wrdreg s15  }
0x12: {  	s14 =	simm.s32 $0x3A00;
	[dreg:$0x16] =	wrdreg s16;
	s15 =	simm.s32 $0x4200  }
0x13: {  	[dreg:$0x17] =	wrdreg s17;
	s16 =	simm.s32 $0x4A00;
	s17 =	simm.s32 $0x5200  }
0x14: {  	s22 =	simm.s32 $0x13200;
	s23 =	simm.s32 $0x13A00;
	s24 =	simm.s32 $0x14200  }
0x15: {  	s25 =	simm.s32 $0x14A00;
	s0 =	sadd.s32 s0, s6;
	[dreg:$0x1c] =	wrdreg s22  }
0x16: {  	s18 =	sor.u32 s8, s7;
	s26 =	sshrl.u32 s5, $0x1;
	[dreg:$0x1d] =	wrdreg s23  }
0x17: {  	s7 =	simm.s32 $0xB200;
	s8 =	simm.s32 $0xBA00;
	[dreg:$0x1e] =	wrdreg s24  }
0x18: {  	s6 =	simm.s32 $0x3;
	s22 =	simm.s32 $0x7A00;
	[dreg:$0x1f] =	wrdreg s25  }
0x19: {  	s23 =	simm.s32 $0x8200;
	s24 =	simm.s32 $0x1;
	[dreg:$0xd] =	wrdreg s7  }
0x1a: {  	s25 =	simm.s32 $0x10200;
	s0 =	sadd.s32 s9, s0;
	[dreg:$0xe] =	wrdreg s8  }
0x1b: {  	s4 =	sadd.s32 s4, s18;
	s9 =	simm.s32 $0xC200;
	[dreg:$0x4] =	wrdreg s0  }
0x1c: {  	s5 =	ssub.s32 s5, s26;
	s18 =	simm.s32 $0x11200;
	[dreg:$0xf] =	wrdreg s9  }
0x1d: {  	s7 =	simm.s32 $0x200;
	s26 =	simm.s32 $0x15200;
	[dreg:$0x18] =	wrdreg s18  }
0x1e: {  	s8 =	simm.s32 $0xA00;
	s19 =	sadd.s32 $0x1000, s4;
	[smem:$0x7FD] =	sst s26  }
0x1f: {  	s20 =	sadd.s32 $0x2000, s4;
	s21 =	sadd.s32 $0x3000, s4;
	[dreg:$0x5] =	wrdreg s19  }
0x20: {  	s5 =	smax.u32 s5, $0x1;
	s9 =	simm.s32 $0x1200;
	[dreg:$0x6] =	wrdreg s20  }
0x21: {  	s18 =	simm.s32 $0x5A00;
	[dreg:$0x7] =	wrdreg s21;
	s19 =	simm.s32 $0x11A00  }
0x22: {  	v2 =	vlaneseq.u32;
	s0 =	simm.s32 $0x2;
	s20 =	simm.s32 $0x12200;
	[dreg:$0x19] =	wrdreg s19  }
0x23: {  	vm0 =	vmmov $0xffff;
	v1 =	vshrl.u32 v2, $0x3;
	s21 =	simm.s32 $0x12A00;
	[dreg:$0x1a] =	wrdreg s20;
	s19 =	simm.s32 $0x6200  }
0x24: {  	v0 =	vand.u32 $0x7, v2;
	v2 =	vor.u32 $0x8, v2;
	v1 =	vmul.u32 $0x8, v1;
	[dreg:$0x1b] =	wrdreg s21;
	s20 =	simm.s32 $0x6A00;
	s21 =	simm.s32 $0x7200  }
.LBB2_1:
0x25: {  	s2 =	rddreg [dreg:$0x4]  }
0x26: {  	[tilespmem:s3], [sflag:$0x3] =	stream.linear.gather [hbm4b:s2+s3], $0x200, $0x38;
	[tilespmem:$0x18200] =	vst v63  }
0x27: {  	_ =	swait.ge [sflag:s6], $0x200  }
0x28: {  	[sflag:s6] =	ssyncset.done $0x0  }
0x29: {  	[sflag:s6] =	ssyncadd.s32 $0xFFFFFE00  }
0x2a: {  	v3 =	vld [tilespmem:$0x0];
	_ =	sdelay $0x4  }
0x2b: {  	v4 =	vshll.u32 v3, $0x1  }
0x2c: {  	v3 =	vand.u32 $0x7, v3;
	v4 =	vand.u32 $0xFFFFFFF0, v4  }
0x2d: {  	v3 =	vor.u32 v3, v4  }
0x2e: {  	v4 =	vperm.xlane v3, v0;
	_ =	sdelay $0x1  }
0x2f: {  	v3 =	vperm.xlane v3, v2;
	v4 =	vadd.s32 v1, v4;
	_ =	sdelay $0x1  }
0x30: {  	v3 =	vadd.s32 v1, v3;
	_ =	sdelay $0x2  }
0x31: {  	[tilespmem:s7], [sflag:$0x1] =	stream.indirect_vreg.gather [hbm4b:s1+s3], $0x80, v4, vm0, $0xb8;
	[tilespmem:$0x18200] =	vst v63  }
0x32: {  	_ = 	snop  }
0x33: {  	[tilespmem:s8], [sflag:$0x1] =	stream.indirect_vreg.gather [hbm4b:s1+s3], $0x80, v3, vm0, $0xb8;
	[tilespmem:$0x18200] =	vst v63  }
0x34: {  	v3 =	vld [tilespmem:$0x10];
	_ =	sdelay $0x4  }
0x35: {  	v33 =	vshll.u32 v3, $0x1  }
0x36: {  	v3 =	vand.u32 $0x7, v3;
	v4 =	vand.u32 $0xFFFFFFF0, v33  }
0x37: {  	v3 =	vor.u32 v3, v4  }
0x38: {  	v4 =	vperm.xlane v3, v0;
	_ =	sdelay $0x1  }
0x39: {  	v3 =	vperm.xlane v3, v2;
	v4 =	vadd.s32 v1, v4;
	_ =	sdelay $0x1  }
0x3a: {  	v3 =	vadd.s32 v1, v3;
	_ =	sdelay $0x2  }
0x3b: {  	[tilespmem:s9], [sflag:$0x1] =	stream.indirect_vreg.gather [hbm4b:s1+s3], $0x80, v4, vm0, $0xb8;
	[tilespmem:$0x18200] =	vst v63  }
0x3c: {  	_ = 	snop  }
0x3d: {  	[tilespmem:s10], [sflag:$0x1] =	stream.indirect_vreg.gather [hbm4b:s1+s3], $0x80, v3, vm0, $0xb8;
	[tilespmem:$0x18200] =	vst v63  }
0x3e: {  	v3 =	vld [tilespmem:$0x20];
	_ =	sdelay $0x4  }
0x3f: {  	v34 =	vshll.u32 v3, $0x1  }
0x40: {  	v3 =	vand.u32 $0x7, v3;
	v4 =	vand.u32 $0xFFFFFFF0, v34  }
0x41: {  	v3 =	vor.u32 v3, v4  }
0x42: {  	v4 =	vperm.xlane v3, v0;
	_ =	sdelay $0x1  }
0x43: {  	v3 =	vperm.xlane v3, v2;
	v4 =	vadd.s32 v1, v4;
	_ =	sdelay $0x1  }
0x44: {  	v3 =	vadd.s32 v1, v3;
	_ =	sdelay $0x2  }
0x45: {  	[tilespmem:s11], [sflag:$0x1] =	stream.indirect_vreg.gather [hbm4b:s1+s3], $0x80, v4, vm0, $0xb8;
	[tilespmem:$0x18200] =	vst v63  }
0x46: {  	_ = 	snop  }
0x47: {  	[tilespmem:s12], [sflag:$0x1] =	stream.indirect_vreg.gather [hbm4b:s1+s3], $0x80, v3, vm0, $0xb8;
	[tilespmem:$0x18200] =	vst v63  }
0x48: {  	v3 =	vld [tilespmem:$0x30];
	_ =	sdelay $0x4  }
0x49: {  	v35 =	vshll.u32 v3, $0x1  }
0x4a: {  	v3 =	vand.u32 $0x7, v3;
	v4 =	vand.u32 $0xFFFFFFF0, v35  }
0x4b: {  	v3 =	vor.u32 v3, v4  }
0x4c: {  	v4 =	vperm.xlane v3, v0;
	_ =	sdelay $0x1  }
0x4d: {  	v3 =	vperm.xlane v3, v2;
	v4 =	vadd.s32 v1, v4;
	_ =	sdelay $0x1  }
0x4e: {  	v3 =	vadd.s32 v1, v3;
	_ =	sdelay $0x2  }
0x4f: {  	[tilespmem:s13], [sflag:$0x1] =	stream.indirect_vreg.gather [hbm4b:s1+s3], $0x80, v4, vm0, $0xb8;
	[tilespmem:$0x18200] =	vst v63  }
0x50: {  	_ = 	snop  }
0x51: {  	[tilespmem:s14], [sflag:$0x1] =	stream.indirect_vreg.gather [hbm4b:s1+s3], $0x80, v3, vm0, $0xb8;
	[tilespmem:$0x18200] =	vst v63  }
0x52: {  	v3 =	vld [tilespmem:$0x40];
	_ =	sdelay $0x4  }
0x53: {  	v36 =	vshll.u32 v3, $0x1  }
0x54: {  	v3 =	vand.u32 $0x7, v3;
	v4 =	vand.u32 $0xFFFFFFF0, v36  }
0x55: {  	v3 =	vor.u32 v3, v4  }
0x56: {  	v4 =	vperm.xlane v3, v0;
	_ =	sdelay $0x1  }
0x57: {  	v3 =	vperm.xlane v3, v2;
	v4 =	vadd.s32 v1, v4;
	_ =	sdelay $0x1  }
0x58: {  	v3 =	vadd.s32 v1, v3;
	_ =	sdelay $0x2  }
0x59: {  	[tilespmem:s15], [sflag:$0x1] =	stream.indirect_vreg.gather [hbm4b:s1+s3], $0x80, v4, vm0, $0xb8;
	[tilespmem:$0x18200] =	vst v63  }
0x5a: {  	_ = 	snop  }
0x5b: {  	[tilespmem:s16], [sflag:$0x1] =	stream.indirect_vreg.gather [hbm4b:s1+s3], $0x80, v3, vm0, $0xb8;
	[tilespmem:$0x18200] =	vst v63  }
0x5c: {  	v3 =	vld [tilespmem:$0x50];
	_ =	sdelay $0x4  }
0x5d: {  	v37 =	vshll.u32 v3, $0x1  }
0x5e: {  	v3 =	vand.u32 $0x7, v3;
	v4 =	vand.u32 $0xFFFFFFF0, v37  }
0x5f: {  	v3 =	vor.u32 v3, v4  }
0x60: {  	v4 =	vperm.xlane v3, v0;
	_ =	sdelay $0x1  }
0x61: {  	v3 =	vperm.xlane v3, v2;
	v4 =	vadd.s32 v1, v4;
	_ =	sdelay $0x1  }
0x62: {  	v3 =	vadd.s32 v1, v3;
	_ =	sdelay $0x2  }
0x63: {  	[tilespmem:s17], [sflag:$0x1] =	stream.indirect_vreg.gather [hbm4b:s1+s3], $0x80, v4, vm0, $0xb8;
	[tilespmem:$0x18200] =	vst v63  }
0x64: {  	_ = 	snop  }
0x65: {  	[tilespmem:s18], [sflag:$0x1] =	stream.indirect_vreg.gather [hbm4b:s1+s3], $0x80, v3, vm0, $0xb8;
	[tilespmem:$0x18200] =	vst v63  }
0x66: {  	v3 =	vld [tilespmem:$0x60];
	_ =	sdelay $0x4  }
0x67: {  	v38 =	vshll.u32 v3, $0x1  }
0x68: {  	v3 =	vand.u32 $0x7, v3;
	v4 =	vand.u32 $0xFFFFFFF0, v38  }
0x69: {  	v3 =	vor.u32 v3, v4  }
0x6a: {  	v4 =	vperm.xlane v3, v0;
	_ =	sdelay $0x1  }
0x6b: {  	v3 =	vperm.xlane v3, v2;
	v4 =	vadd.s32 v1, v4;
	_ =	sdelay $0x1  }
0x6c: {  	v3 =	vadd.s32 v1, v3;
	_ =	sdelay $0x2  }
0x6d: {  	[tilespmem:s19], [sflag:$0x1] =	stream.indirect_vreg.gather [hbm4b:s1+s3], $0x80, v4, vm0, $0xb8;
	[tilespmem:$0x18200] =	vst v63  }
0x6e: {  	_ = 	snop  }
0x6f: {  	[tilespmem:s20], [sflag:$0x1] =	stream.indirect_vreg.gather [hbm4b:s1+s3], $0x80, v3, vm0, $0xb8;
	[tilespmem:$0x18200] =	vst v63  }
0x70: {  	v3 =	vld [tilespmem:$0x70];
	_ =	sdelay $0x4  }
0x71: {  	v39 =	vshll.u32 v3, $0x1  }
0x72: {  	v3 =	vand.u32 $0x7, v3;
	v4 =	vand.u32 $0xFFFFFFF0, v39  }
0x73: {  	v3 =	vor.u32 v3, v4  }
0x74: {  	v4 =	vperm.xlane v3, v0;
	_ =	sdelay $0x1  }
0x75: {  	v3 =	vperm.xlane v3, v2;
	v4 =	vadd.s32 v1, v4;
	_ =	sdelay $0x1  }
0x76: {  	v3 =	vadd.s32 v1, v3;
	_ =	sdelay $0x2  }
0x77: {  	[tilespmem:s21], [sflag:$0x1] =	stream.indirect_vreg.gather [hbm4b:s1+s3], $0x80, v4, vm0, $0xb8;
	[tilespmem:$0x18200] =	vst v63  }
0x78: {  	_ = 	snop  }
0x79: {  	[tilespmem:s22], [sflag:$0x1] =	stream.indirect_vreg.gather [hbm4b:s1+s3], $0x80, v3, vm0, $0xb8;
	[tilespmem:$0x18200] =	vst v63  }
0x7a: {  	v3 =	vld [tilespmem:$0x80];
	_ =	sdelay $0x4  }
0x7b: {  	v40 =	vshll.u32 v3, $0x1  }
0x7c: {  	v3 =	vand.u32 $0x7, v3;
	v4 =	vand.u32 $0xFFFFFFF0, v40  }
0x7d: {  	v3 =	vor.u32 v3, v4  }
0x7e: {  	v4 =	vperm.xlane v3, v0;
	_ =	sdelay $0x1  }
0x7f: {  	v3 =	vperm.xlane v3, v2;
	v4 =	vadd.s32 v1, v4;
	_ =	sdelay $0x1  }
0x80: {  	v3 =	vadd.s32 v1, v3;
	_ =	sdelay $0x2  }
0x81: {  	[tilespmem:s23], [sflag:$0x1] =	stream.indirect_vreg.gather [hbm4b:s1+s3], $0x80, v4, vm0, $0xb8;
	[tilespmem:$0x18200] =	vst v63  }
0x82: {  	s26 =	rddreg [dreg:$0x8]  }
0x83: {  	[tilespmem:s26], [sflag:$0x1] =	stream.indirect_vreg.gather [hbm4b:s1+s3], $0x80, v3, vm0, $0xb8;
	[tilespmem:$0x18200] =	vst v63  }
0x84: {  	v3 =	vld [tilespmem:$0x90];
	_ =	sdelay $0x4  }
0x85: {  	v41 =	vshll.u32 v3, $0x1  }
0x86: {  	v3 =	vand.u32 $0x7, v3;
	v4 =	vand.u32 $0xFFFFFFF0, v41  }
0x87: {  	v3 =	vor.u32 v3, v4  }
0x88: {  	v4 =	vperm.xlane v3, v0;
	_ =	sdelay $0x1  }
0x89: {  	v3 =	vperm.xlane v3, v2;
	v4 =	vadd.s32 v1, v4;
	_ =	sdelay $0x1  }
0x8a: {  	v3 =	vadd.s32 v1, v3;
	_ =	sdelay $0x1  }
0x8b: {  	s2 =	rddreg [dreg:$0x9]  }
0x8c: {  	[tilespmem:s2], [sflag:$0x1] =	stream.indirect_vreg.gather [hbm4b:s1+s3], $0x80, v4, vm0, $0xb8;
	[tilespmem:$0x18200] =	vst v63  }
0x8d: {  	s26 =	rddreg [dreg:$0xa]  }
0x8e: {  	[tilespmem:s26], [sflag:$0x1] =	stream.indirect_vreg.gather [hbm4b:s1+s3], $0x80, v3, vm0, $0xb8;
	[tilespmem:$0x18200] =	vst v63  }
0x8f: {  	v3 =	vld [tilespmem:$0xA0];
	_ =	sdelay $0x4  }
0x90: {  	v42 =	vshll.u32 v3, $0x1  }
0x91: {  	v3 =	vand.u32 $0x7, v3;
	v4 =	vand.u32 $0xFFFFFFF0, v42  }
0x92: {  	v3 =	vor.u32 v3, v4  }
0x93: {  	v4 =	vperm.xlane v3, v0;
	_ =	sdelay $0x1  }
0x94: {  	v3 =	vperm.xlane v3, v2;
	v4 =	vadd.s32 v1, v4;
	_ =	sdelay $0x1  }
0x95: {  	v3 =	vadd.s32 v1, v3;
	_ =	sdelay $0x1  }
0x96: {  	s2 =	rddreg [dreg:$0xb]  }
0x97: {  	[tilespmem:s2], [sflag:$0x1] =	stream.indirect_vreg.gather [hbm4b:s1+s3], $0x80, v4, vm0, $0xb8;
	[tilespmem:$0x18200] =	vst v63  }
0x98: {  	s26 =	rddreg [dreg:$0xc]  }
0x99: {  	[tilespmem:s26], [sflag:$0x1] =	stream.indirect_vreg.gather [hbm4b:s1+s3], $0x80, v3, vm0, $0xb8;
	[tilespmem:$0x18200] =	vst v63  }
0x9a: {  	v3 =	vld [tilespmem:$0xB0];
	_ =	sdelay $0x4  }
0x9b: {  	v43 =	vshll.u32 v3, $0x1  }
0x9c: {  	v3 =	vand.u32 $0x7, v3;
	v4 =	vand.u32 $0xFFFFFFF0, v43  }
0x9d: {  	v3 =	vor.u32 v3, v4  }
0x9e: {  	v4 =	vperm.xlane v3, v0;
	_ =	sdelay $0x1  }
0x9f: {  	v3 =	vperm.xlane v3, v2;
	v4 =	vadd.s32 v1, v4;
	_ =	sdelay $0x1  }
0xa0: {  	v3 =	vadd.s32 v1, v3;
	_ =	sdelay $0x1  }
0xa1: {  	s2 =	rddreg [dreg:$0xd]  }
0xa2: {  	[tilespmem:s2], [sflag:$0x1] =	stream.indirect_vreg.gather [hbm4b:s1+s3], $0x80, v4, vm0, $0xb8;
	[tilespmem:$0x18200] =	vst v63  }
0xa3: {  	s26 =	rddreg [dreg:$0xe]  }
0xa4: {  	[tilespmem:s26], [sflag:$0x1] =	stream.indirect_vreg.gather [hbm4b:s1+s3], $0x80, v3, vm0, $0xb8;
	[tilespmem:$0x18200] =	vst v63  }
0xa5: {  	v3 =	vld [tilespmem:$0xC0];
	_ =	sdelay $0x4  }
0xa6: {  	v44 =	vshll.u32 v3, $0x1  }
0xa7: {  	v3 =	vand.u32 $0x7, v3;
	v4 =	vand.u32 $0xFFFFFFF0, v44  }
0xa8: {  	v3 =	vor.u32 v3, v4  }
0xa9: {  	v4 =	vperm.xlane v3, v0;
	_ =	sdelay $0x1  }
0xaa: {  	v3 =	vperm.xlane v3, v2;
	v4 =	vadd.s32 v1, v4;
	_ =	sdelay $0x1  }
0xab: {  	v3 =	vadd.s32 v1, v3;
	_ =	sdelay $0x1  }
0xac: {  	s2 =	rddreg [dreg:$0xf]  }
0xad: {  	[tilespmem:s2], [sflag:$0x1] =	stream.indirect_vreg.gather [hbm4b:s1+s3], $0x80, v4, vm0, $0xb8;
	[tilespmem:$0x18200] =	vst v63  }
0xae: {  	s26 =	rddreg [dreg:$0x10]  }
0xaf: {  	[tilespmem:s26], [sflag:$0x1] =	stream.indirect_vreg.gather [hbm4b:s1+s3], $0x80, v3, vm0, $0xb8;
	[tilespmem:$0x18200] =	vst v63  }
0xb0: {  	v3 =	vld [tilespmem:$0xD0];
	_ =	sdelay $0x4  }
0xb1: {  	v45 =	vshll.u32 v3, $0x1  }
0xb2: {  	v3 =	vand.u32 $0x7, v3;
	v4 =	vand.u32 $0xFFFFFFF0, v45  }
0xb3: {  	v3 =	vor.u32 v3, v4  }
0xb4: {  	v4 =	vperm.xlane v3, v0;
	_ =	sdelay $0x1  }
0xb5: {  	v3 =	vperm.xlane v3, v2;
	v4 =	vadd.s32 v1, v4;
	_ =	sdelay $0x1  }
0xb6: {  	v3 =	vadd.s32 v1, v3;
	_ =	sdelay $0x1  }
0xb7: {  	s2 =	rddreg [dreg:$0x11]  }
0xb8: {  	[tilespmem:s2], [sflag:$0x1] =	stream.indirect_vreg.gather [hbm4b:s1+s3], $0x80, v4, vm0, $0xb8;
	[tilespmem:$0x18200] =	vst v63  }
0xb9: {  	s26 =	rddreg [dreg:$0x12]  }
0xba: {  	[tilespmem:s26], [sflag:$0x1] =	stream.indirect_vreg.gather [hbm4b:s1+s3], $0x80, v3, vm0, $0xb8;
	[tilespmem:$0x18200] =	vst v63  }
0xbb: {  	v3 =	vld [tilespmem:$0xE0];
	_ =	sdelay $0x4  }
0xbc: {  	v46 =	vshll.u32 v3, $0x1  }
0xbd: {  	v3 =	vand.u32 $0x7, v3;
	v4 =	vand.u32 $0xFFFFFFF0, v46  }
0xbe: {  	v3 =	vor.u32 v3, v4  }
0xbf: {  	v4 =	vperm.xlane v3, v0;
	_ =	sdelay $0x1  }
0xc0: {  	v3 =	vperm.xlane v3, v2;
	v4 =	vadd.s32 v1, v4;
	_ =	sdelay $0x1  }
0xc1: {  	v3 =	vadd.s32 v1, v3;
	_ =	sdelay $0x1  }
0xc2: {  	s2 =	rddreg [dreg:$0x13]  }
0xc3: {  	[tilespmem:s2], [sflag:$0x1] =	stream.indirect_vreg.gather [hbm4b:s1+s3], $0x80, v4, vm0, $0xb8;
	[tilespmem:$0x18200] =	vst v63  }
0xc4: {  	s26 =	rddreg [dreg:$0x14]  }
0xc5: {  	[tilespmem:s26], [sflag:$0x1] =	stream.indirect_vreg.gather [hbm4b:s1+s3], $0x80, v3, vm0, $0xb8;
	[tilespmem:$0x18200] =	vst v63  }
0xc6: {  	v3 =	vld [tilespmem:$0xF0];
	_ =	sdelay $0x4  }
0xc7: {  	v47 =	vshll.u32 v3, $0x1  }
0xc8: {  	v3 =	vand.u32 $0x7, v3;
	v4 =	vand.u32 $0xFFFFFFF0, v47  }
0xc9: {  	v3 =	vor.u32 v3, v4  }
0xca: {  	v4 =	vperm.xlane v3, v0;
	_ =	sdelay $0x1  }
0xcb: {  	v3 =	vperm.xlane v3, v2;
	v4 =	vadd.s32 v1, v4;
	_ =	sdelay $0x1  }
0xcc: {  	v3 =	vadd.s32 v1, v3;
	_ =	sdelay $0x1  }
0xcd: {  	s2 =	rddreg [dreg:$0x15]  }
0xce: {  	[tilespmem:s2], [sflag:$0x1] =	stream.indirect_vreg.gather [hbm4b:s1+s3], $0x80, v4, vm0, $0xb8;
	[tilespmem:$0x18200] =	vst v63  }
0xcf: {  	s26 =	rddreg [dreg:$0x16]  }
0xd0: {  	[tilespmem:s26], [sflag:$0x1] =	stream.indirect_vreg.gather [hbm4b:s1+s3], $0x80, v3, vm0, $0xb8;
	[tilespmem:$0x18200] =	vst v63  }
0xd1: {  	_ =	swait.ge [sflag:s24], $0x8000  }
0xd2: {  	[sflag:s24] =	ssyncset.done $0x0  }
0xd3: {  	[sflag:s24] =	ssyncadd.s32 $0xFFFF8000  }
0xd4: {  	[hbm4b:s4+s3] =	stream.linear.scatter [tilespmem:s7], [sflag:$0x2], $0x8000, $0x38;
	[tilespmem:$0x18200] =	vst v63  }
0xd5: {  	v3 =	vld [tilespmem:$0x100];
	_ =	sdelay $0x4  }
0xd6: {  	v48 =	vshll.u32 v3, $0x1  }
0xd7: {  	v3 =	vand.u32 $0x7, v3;
	v4 =	vand.u32 $0xFFFFFFF0, v48  }
0xd8: {  	v3 =	vor.u32 v3, v4  }
0xd9: {  	v4 =	vperm.xlane v3, v0;
	_ =	sdelay $0x1  }
0xda: {  	v3 =	vperm.xlane v3, v2;
	v4 =	vadd.s32 v1, v4;
	_ =	sdelay $0x1  }
0xdb: {  	v3 =	vadd.s32 v1, v3;
	_ =	sdelay $0x2  }
0xdc: {  	[tilespmem:s25], [sflag:$0x1] =	stream.indirect_vreg.gather [hbm4b:s1+s3], $0x80, v4, vm0, $0xb8;
	[tilespmem:$0x18200] =	vst v63  }
0xdd: {  	s26 =	rddreg [dreg:$0x17]  }
0xde: {  	[tilespmem:s26], [sflag:$0x1] =	stream.indirect_vreg.gather [hbm4b:s1+s3], $0x80, v3, vm0, $0xb8;
	[tilespmem:$0x18200] =	vst v63  }
0xdf: {  	v3 =	vld [tilespmem:$0x110];
	_ =	sdelay $0x4  }
0xe0: {  	v49 =	vshll.u32 v3, $0x1  }
0xe1: {  	v3 =	vand.u32 $0x7, v3;
	v4 =	vand.u32 $0xFFFFFFF0, v49  }
0xe2: {  	v3 =	vor.u32 v3, v4  }
0xe3: {  	v4 =	vperm.xlane v3, v0;
	_ =	sdelay $0x1  }
0xe4: {  	v3 =	vperm.xlane v3, v2;
	v4 =	vadd.s32 v1, v4;
	_ =	sdelay $0x1  }
0xe5: {  	v3 =	vadd.s32 v1, v3;
	_ =	sdelay $0x1  }
0xe6: {  	s2 =	rddreg [dreg:$0x18]  }
0xe7: {  	[tilespmem:s2], [sflag:$0x1] =	stream.indirect_vreg.gather [hbm4b:s1+s3], $0x80, v4, vm0, $0xb8;
	[tilespmem:$0x18200] =	vst v63  }
0xe8: {  	s26 =	rddreg [dreg:$0x19]  }
0xe9: {  	[tilespmem:s26], [sflag:$0x1] =	stream.indirect_vreg.gather [hbm4b:s1+s3], $0x80, v3, vm0, $0xb8;
	[tilespmem:$0x18200] =	vst v63  }
0xea: {  	v3 =	vld [tilespmem:$0x120];
	_ =	sdelay $0x4  }
0xeb: {  	v50 =	vshll.u32 v3, $0x1  }
0xec: {  	v3 =	vand.u32 $0x7, v3;
	v4 =	vand.u32 $0xFFFFFFF0, v50  }
0xed: {  	v3 =	vor.u32 v3, v4  }
0xee: {  	v4 =	vperm.xlane v3, v0;
	_ =	sdelay $0x1  }
0xef: {  	v3 =	vperm.xlane v3, v2;
	v4 =	vadd.s32 v1, v4;
	_ =	sdelay $0x1  }
0xf0: {  	v3 =	vadd.s32 v1, v3;
	_ =	sdelay $0x1  }
0xf1: {  	s2 =	rddreg [dreg:$0x1a]  }
0xf2: {  	[tilespmem:s2], [sflag:$0x1] =	stream.indirect_vreg.gather [hbm4b:s1+s3], $0x80, v4, vm0, $0xb8;
	[tilespmem:$0x18200] =	vst v63  }
0xf3: {  	s26 =	rddreg [dreg:$0x1b]  }
0xf4: {  	[tilespmem:s26], [sflag:$0x1] =	stream.indirect_vreg.gather [hbm4b:s1+s3], $0x80, v3, vm0, $0xb8;
	[tilespmem:$0x18200] =	vst v63  }
0xf5: {  	v3 =	vld [tilespmem:$0x130];
	_ =	sdelay $0x4  }
0xf6: {  	v51 =	vshll.u32 v3, $0x1  }
0xf7: {  	v3 =	vand.u32 $0x7, v3;
	v4 =	vand.u32 $0xFFFFFFF0, v51  }
0xf8: {  	v3 =	vor.u32 v3, v4  }
0xf9: {  	v4 =	vperm.xlane v3, v0;
	_ =	sdelay $0x1  }
0xfa: {  	v3 =	vperm.xlane v3, v2;
	v4 =	vadd.s32 v1, v4;
	_ =	sdelay $0x1  }
0xfb: {  	v3 =	vadd.s32 v1, v3;
	_ =	sdelay $0x1  }
0xfc: {  	s2 =	rddreg [dreg:$0x1c]  }
0xfd: {  	[tilespmem:s2], [sflag:$0x1] =	stream.indirect_vreg.gather [hbm4b:s1+s3], $0x80, v4, vm0, $0xb8;
	[tilespmem:$0x18200] =	vst v63  }
0xfe: {  	s26 =	rddreg [dreg:$0x1d]  }
0xff: {  	[tilespmem:s26], [sflag:$0x1] =	stream.indirect_vreg.gather [hbm4b:s1+s3], $0x80, v3, vm0, $0xb8;
	[tilespmem:$0x18200] =	vst v63  }
0x100: {  	v3 =	vld [tilespmem:$0x140];
	_ =	sdelay $0x4  }
0x101: {  	v52 =	vshll.u32 v3, $0x1  }
0x102: {  	v3 =	vand.u32 $0x7, v3;
	v4 =	vand.u32 $0xFFFFFFF0, v52  }
0x103: {  	v3 =	vor.u32 v3, v4  }
0x104: {  	v4 =	vperm.xlane v3, v0;
	_ =	sdelay $0x1  }
0x105: {  	v3 =	vperm.xlane v3, v2;
	v4 =	vadd.s32 v1, v4;
	_ =	sdelay $0x1  }
0x106: {  	v3 =	vadd.s32 v1, v3;
	_ =	sdelay $0x1  }
0x107: {  	s2 =	rddreg [dreg:$0x1e]  }
0x108: {  	[tilespmem:s2], [sflag:$0x1] =	stream.indirect_vreg.gather [hbm4b:s1+s3], $0x80, v4, vm0, $0xb8;
	[tilespmem:$0x18200] =	vst v63  }
0x109: {  	s26 =	rddreg [dreg:$0x1f]  }
0x10a: {  	[tilespmem:s26], [sflag:$0x1] =	stream.indirect_vreg.gather [hbm4b:s1+s3], $0x80, v3, vm0, $0xb8;
	[tilespmem:$0x18200] =	vst v63  }
0x10b: {  	v3 =	vld [tilespmem:$0x150];
	_ =	sdelay $0x4  }
0x10c: {  	v53 =	vshll.u32 v3, $0x1  }
0x10d: {  	v3 =	vand.u32 $0x7, v3;
	v4 =	vand.u32 $0xFFFFFFF0, v53  }
0x10e: {  	v3 =	vor.u32 v3, v4  }
0x10f: {  	v4 =	vperm.xlane v3, v0;
	_ =	sdelay $0x1  }
0x110: {  	v3 =	vperm.xlane v3, v2;
	v4 =	vadd.s32 v1, v4;
	_ =	sdelay $0x1  }
0x111: {  	s26 =	sld [smem:$0x7FD];
	v3 =	vadd.s32 v1, v3;
	_ =	sdelay $0x2  }
0x112: {  	[tilespmem:s26], [sflag:$0x1] =	stream.indirect_vreg.gather [hbm4b:s1+s3], $0x80, v4, vm0, $0xb8;
	[tilespmem:$0x18200] =	vst v63  }
0x113: {  	s26 =	simm.s32 $0x15A00  }
0x114: {  	[tilespmem:s26], [sflag:$0x1] =	stream.indirect_vreg.gather [hbm4b:s1+s3], $0x80, v3, vm0, $0xb8;
	[tilespmem:$0x18200] =	vst v63  }
0x115: {  	v3 =	vld [tilespmem:$0x160];
	_ =	sdelay $0x4  }
0x116: {  	v54 =	vshll.u32 v3, $0x1  }
0x117: {  	v3 =	vand.u32 $0x7, v3;
	v4 =	vand.u32 $0xFFFFFFF0, v54  }
0x118: {  	v3 =	vor.u32 v3, v4  }
0x119: {  	v4 =	vperm.xlane v3, v0;
	_ =	sdelay $0x1  }
0x11a: {  	v3 =	vperm.xlane v3, v2;
	v4 =	vadd.s32 v1, v4;
	_ =	sdelay $0x1  }
0x11b: {  	v3 =	vadd.s32 v1, v3;
	_ =	sdelay $0x2  }
0x11c: {  	[tilespmem:s28], [sflag:$0x1] =	stream.indirect_vreg.gather [hbm4b:s1+s3], $0x80, v4, vm0, $0xb8;
	[tilespmem:$0x18200] =	vst v63  }
0x11d: {  	_ = 	snop  }
0x11e: {  	[tilespmem:s29], [sflag:$0x1] =	stream.indirect_vreg.gather [hbm4b:s1+s3], $0x80, v3, vm0, $0xb8;
	[tilespmem:$0x18200] =	vst v63  }
0x11f: {  	v3 =	vld [tilespmem:$0x170];
	_ =	sdelay $0x4  }
0x120: {  	v55 =	vshll.u32 v3, $0x1  }
0x121: {  	v3 =	vand.u32 $0x7, v3;
	v4 =	vand.u32 $0xFFFFFFF0, v55  }
0x122: {  	v3 =	vor.u32 v3, v4  }
0x123: {  	v4 =	vperm.xlane v3, v0;
	_ =	sdelay $0x1  }
0x124: {  	v3 =	vperm.xlane v3, v2;
	v4 =	vadd.s32 v1, v4;
	_ =	sdelay $0x1  }
0x125: {  	v3 =	vadd.s32 v1, v3;
	_ =	sdelay $0x2  }
0x126: {  	[tilespmem:s30], [sflag:$0x1] =	stream.indirect_vreg.gather [hbm4b:s1+s3], $0x80, v4, vm0, $0xb8;
	[tilespmem:$0x18200] =	vst v63  }
0x127: {  	_ = 	snop  }
0x128: {  	[tilespmem:s31], [sflag:$0x1] =	stream.indirect_vreg.gather [hbm4b:s1+s3], $0x80, v3, vm0, $0xb8;
	[tilespmem:$0x18200] =	vst v63  }
0x129: {  	_ =	swait.ge [sflag:s24], $0x8000  }
0x12a: {  	[sflag:s24] =	ssyncset.done $0x0  }
0x12b: {  	s26 =	rddreg [dreg:$0x5];
	[sflag:s24] =	ssyncadd.s32 $0xFFFF8000  }
0x12c: {  	[hbm4b:s26+s3] =	stream.linear.scatter [tilespmem:s23], [sflag:$0x2], $0x8000, $0x38;
	[tilespmem:$0x18200] =	vst v63  }
0x12d: {  	_ =	swait.ge [sflag:s0], $0x8000  }
0x12e: {  	[sflag:s0] =	ssyncset.done $0x0  }
0x12f: {  	[sflag:s0] =	ssyncadd.s32 $0xFFFF8000  }
0x130: {  	v3 =	vld [tilespmem:$0x180];
	_ =	sdelay $0x4  }
0x131: {  	v56 =	vshll.u32 v3, $0x1  }
0x132: {  	v3 =	vand.u32 $0x7, v3;
	v4 =	vand.u32 $0xFFFFFFF0, v56  }
0x133: {  	v3 =	vor.u32 v3, v4  }
0x134: {  	v4 =	vperm.xlane v3, v0;
	_ =	sdelay $0x1  }
0x135: {  	v3 =	vperm.xlane v3, v2;
	v4 =	vadd.s32 v1, v4;
	_ =	sdelay $0x1  }
0x136: {  	v3 =	vadd.s32 v1, v3;
	_ =	sdelay $0x2  }
0x137: {  	[tilespmem:s7], [sflag:$0x1] =	stream.indirect_vreg.gather [hbm4b:s1+s3], $0x80, v4, vm0, $0xb8;
	[tilespmem:$0x18200] =	vst v63  }
0x138: {  	_ = 	snop  }
0x139: {  	[tilespmem:s8], [sflag:$0x1] =	stream.indirect_vreg.gather [hbm4b:s1+s3], $0x80, v3, vm0, $0xb8;
	[tilespmem:$0x18200] =	vst v63  }
0x13a: {  	v3 =	vld [tilespmem:$0x190];
	_ =	sdelay $0x4  }
0x13b: {  	v57 =	vshll.u32 v3, $0x1  }
0x13c: {  	v3 =	vand.u32 $0x7, v3;
	v4 =	vand.u32 $0xFFFFFFF0, v57  }
0x13d: {  	v3 =	vor.u32 v3, v4  }
0x13e: {  	v4 =	vperm.xlane v3, v0;
	_ =	sdelay $0x1  }
0x13f: {  	v3 =	vperm.xlane v3, v2;
	v4 =	vadd.s32 v1, v4;
	_ =	sdelay $0x1  }
0x140: {  	v3 =	vadd.s32 v1, v3;
	_ =	sdelay $0x2  }
0x141: {  	[tilespmem:s9], [sflag:$0x1] =	stream.indirect_vreg.gather [hbm4b:s1+s3], $0x80, v4, vm0, $0xb8;
	[tilespmem:$0x18200] =	vst v63  }
0x142: {  	_ = 	snop  }
0x143: {  	[tilespmem:s10], [sflag:$0x1] =	stream.indirect_vreg.gather [hbm4b:s1+s3], $0x80, v3, vm0, $0xb8;
	[tilespmem:$0x18200] =	vst v63  }
0x144: {  	v3 =	vld [tilespmem:$0x1A0];
	_ =	sdelay $0x4  }
0x145: {  	v58 =	vshll.u32 v3, $0x1  }
0x146: {  	v3 =	vand.u32 $0x7, v3;
	v4 =	vand.u32 $0xFFFFFFF0, v58  }
0x147: {  	v3 =	vor.u32 v3, v4  }
0x148: {  	v4 =	vperm.xlane v3, v0;
	_ =	sdelay $0x1  }
0x149: {  	v3 =	vperm.xlane v3, v2;
	v4 =	vadd.s32 v1, v4;
	_ =	sdelay $0x1  }
0x14a: {  	v3 =	vadd.s32 v1, v3;
	_ =	sdelay $0x2  }
0x14b: {  	[tilespmem:s11], [sflag:$0x1] =	stream.indirect_vreg.gather [hbm4b:s1+s3], $0x80, v4, vm0, $0xb8;
	[tilespmem:$0x18200] =	vst v63  }
0x14c: {  	_ = 	snop  }
0x14d: {  	[tilespmem:s12], [sflag:$0x1] =	stream.indirect_vreg.gather [hbm4b:s1+s3], $0x80, v3, vm0, $0xb8;
	[tilespmem:$0x18200] =	vst v63  }
0x14e: {  	v3 =	vld [tilespmem:$0x1B0];
	_ =	sdelay $0x4  }
0x14f: {  	v59 =	vshll.u32 v3, $0x1  }
0x150: {  	v3 =	vand.u32 $0x7, v3;
	v4 =	vand.u32 $0xFFFFFFF0, v59  }
0x151: {  	v3 =	vor.u32 v3, v4  }
0x152: {  	v4 =	vperm.xlane v3, v0;
	_ =	sdelay $0x1  }
0x153: {  	v3 =	vperm.xlane v3, v2;
	v4 =	vadd.s32 v1, v4;
	_ =	sdelay $0x1  }
0x154: {  	v3 =	vadd.s32 v1, v3;
	_ =	sdelay $0x2  }
0x155: {  	[tilespmem:s13], [sflag:$0x1] =	stream.indirect_vreg.gather [hbm4b:s1+s3], $0x80, v4, vm0, $0xb8;
	[tilespmem:$0x18200] =	vst v63  }
0x156: {  	_ = 	snop  }
0x157: {  	[tilespmem:s14], [sflag:$0x1] =	stream.indirect_vreg.gather [hbm4b:s1+s3], $0x80, v3, vm0, $0xb8;
	[tilespmem:$0x18200] =	vst v63  }
0x158: {  	v3 =	vld [tilespmem:$0x1C0];
	_ =	sdelay $0x4  }
0x159: {  	v60 =	vshll.u32 v3, $0x1  }
0x15a: {  	v3 =	vand.u32 $0x7, v3;
	v4 =	vand.u32 $0xFFFFFFF0, v60  }
0x15b: {  	v3 =	vor.u32 v3, v4  }
0x15c: {  	v4 =	vperm.xlane v3, v0;
	_ =	sdelay $0x1  }
0x15d: {  	v3 =	vperm.xlane v3, v2;
	v4 =	vadd.s32 v1, v4;
	_ =	sdelay $0x1  }
0x15e: {  	v3 =	vadd.s32 v1, v3;
	_ =	sdelay $0x2  }
0x15f: {  	[tilespmem:s15], [sflag:$0x1] =	stream.indirect_vreg.gather [hbm4b:s1+s3], $0x80, v4, vm0, $0xb8;
	[tilespmem:$0x18200] =	vst v63  }
0x160: {  	_ = 	snop  }
0x161: {  	[tilespmem:s16], [sflag:$0x1] =	stream.indirect_vreg.gather [hbm4b:s1+s3], $0x80, v3, vm0, $0xb8;
	[tilespmem:$0x18200] =	vst v63  }
0x162: {  	v3 =	vld [tilespmem:$0x1D0];
	_ =	sdelay $0x4  }
0x163: {  	v61 =	vshll.u32 v3, $0x1  }
0x164: {  	v3 =	vand.u32 $0x7, v3;
	v4 =	vand.u32 $0xFFFFFFF0, v61  }
0x165: {  	v3 =	vor.u32 v3, v4  }
0x166: {  	v4 =	vperm.xlane v3, v0;
	_ =	sdelay $0x1  }
0x167: {  	v3 =	vperm.xlane v3, v2;
	v4 =	vadd.s32 v1, v4;
	_ =	sdelay $0x1  }
0x168: {  	v3 =	vadd.s32 v1, v3;
	_ =	sdelay $0x2  }
0x169: {  	[tilespmem:s17], [sflag:$0x1] =	stream.indirect_vreg.gather [hbm4b:s1+s3], $0x80, v4, vm0, $0xb8;
	[tilespmem:$0x18200] =	vst v63  }
0x16a: {  	_ = 	snop  }
0x16b: {  	[tilespmem:s18], [sflag:$0x1] =	stream.indirect_vreg.gather [hbm4b:s1+s3], $0x80, v3, vm0, $0xb8;
	[tilespmem:$0x18200] =	vst v63  }
0x16c: {  	v3 =	vld [tilespmem:$0x1E0];
	_ =	sdelay $0x4  }
0x16d: {  	v62 =	vshll.u32 v3, $0x1  }
0x16e: {  	v3 =	vand.u32 $0x7, v3;
	v4 =	vand.u32 $0xFFFFFFF0, v62  }
0x16f: {  	v3 =	vor.u32 v3, v4  }
0x170: {  	v4 =	vperm.xlane v3, v0;
	_ =	sdelay $0x1  }
0x171: {  	v3 =	vperm.xlane v3, v2;
	v4 =	vadd.s32 v1, v4;
	_ =	sdelay $0x1  }
0x172: {  	v3 =	vadd.s32 v1, v3;
	_ =	sdelay $0x2  }
0x173: {  	[tilespmem:s19], [sflag:$0x1] =	stream.indirect_vreg.gather [hbm4b:s1+s3], $0x80, v4, vm0, $0xb8;
	[tilespmem:$0x18200] =	vst v63  }
0x174: {  	_ = 	snop  }
0x175: {  	[tilespmem:s20], [sflag:$0x1] =	stream.indirect_vreg.gather [hbm4b:s1+s3], $0x80, v3, vm0, $0xb8;
	[tilespmem:$0x18200] =	vst v63  }
0x176: {  	v3 =	vld [tilespmem:$0x1F0];
	_ =	sdelay $0x4  }
0x177: {  	v63 =	vshll.u32 v3, $0x1  }
0x178: {  	v3 =	vand.u32 $0x7, v3;
	v4 =	vand.u32 $0xFFFFFFF0, v63  }
0x179: {  	v3 =	vor.u32 v3, v4  }
0x17a: {  	v4 =	vperm.xlane v3, v0;
	_ =	sdelay $0x1  }
0x17b: {  	v3 =	vperm.xlane v3, v2;
	v4 =	vadd.s32 v1, v4;
	_ =	sdelay $0x1  }
0x17c: {  	v3 =	vadd.s32 v1, v3;
	_ =	sdelay $0x2  }
0x17d: {  	[tilespmem:s21], [sflag:$0x1] =	stream.indirect_vreg.gather [hbm4b:s1+s3], $0x80, v4, vm0, $0xb8;
	[tilespmem:$0x18200] =	vst v63  }
0x17e: {  	_ = 	snop  }
0x17f: {  	[tilespmem:s22], [sflag:$0x1] =	stream.indirect_vreg.gather [hbm4b:s1+s3], $0x80, v3, vm0, $0xb8;
	[tilespmem:$0x18200] =	vst v63  }
0x180: {  	_ =	swait.ge [sflag:s24], $0x8000  }
0x181: {  	[sflag:s24] =	ssyncset.done $0x0  }
0x182: {  	s26 =	rddreg [dreg:$0x6];
	[sflag:s24] =	ssyncadd.s32 $0xFFFF8000  }
0x183: {  	[hbm4b:s26+s3] =	stream.linear.scatter [tilespmem:s25], [sflag:$0x2], $0x8000, $0x38;
	[tilespmem:$0x18200] =	vst v63  }
0x184: {  	_ =	swait.ge [sflag:s24], $0x8000  }
0x185: {  	[sflag:s24] =	ssyncset.done $0x0  }
0x186: {  	s26 =	rddreg [dreg:$0x7];
	[sflag:s24] =	ssyncadd.s32 $0xFFFF8000  }
0x187: {  	[hbm4b:s26+s3] =	stream.linear.scatter [tilespmem:s7], [sflag:$0x2], $0x8000, $0x38;
	[tilespmem:$0x18200] =	vst v63  }
0x188: {  	p0 =	sne.s32 s5, $0x1;
	_ =	swait.ge [sflag:s0], $0x8000  }
.Ltmp0:
0x189: {  	[sflag:s0] =	ssyncset.done $0x0;
	(pc) =	sbr.rel @p0 .LBB2_1-.Ltmp0, $4  }
0x18a: {  	[sflag:s0] =	ssyncadd.s32 $0xFFFF8000  }
0x18b: {  	_ =	swait.ge [sflag:s0], $0x8000  }
0x18c: {  	[sflag:s0] =	ssyncset.done $0x0  }
0x18d: {  	s5 =	sadd.s32 $0xFFFFFFFF, s5;
	[sflag:s0] =	ssyncadd.s32 $0xFFFF8000  }
0x18e: {  	_ =	sfence.sel $0x180000  }
0x18f: {  	[bflag:$0x0] =	sbarrier.arrive $0xFFFF  }
0x190: {  	_ =	strace $0x90000047  }
0x191: {  	s0 =	stileid.u32;
	[bflag:$0x2] =	sbarrier.arrive $0xFFFF  }
0x192: {  	p0 =	sne.s32 s0, $0x0;
	s0 =	rddreg [dreg:$0x3]  }
0x193: {  	s0 =	sadd.s32 @!p0 $0x100000, s0  }
0x194: {  	[sflag:s0] =	ssyncadd.tile.s32 @!p0 $0x1;
	_ =	shalt  }
.Lfunc_end2:
_tile_overlayer_lowered:
.L_overlay_start_2:
0x195: {  	(tag) =	ssettag $0x2  }
0x196: {  	s0 =	rddreg [dreg:$0x0];
	s2 =	stileid.u32  }
0x197: {  	s1 =	rddreg [dreg:$0x1];
	p0 =	sne.s32 s2, $0x0  }
0x198: {  	s3 =	rddreg [dreg:$0x2];
	[bflag:$0x3] =	sbarrier.arrive $0xFFFF;
	s2 =	simm.s32 @!p0 $0x1C03  }
0x199: {  	[timem:s3], [sflag:s2] =	dma.local @!p0 [hbm:s0], s1  }
0x19a: {  	s0 =	simm.s32 @!p0 $0x3  }
0x19b: {  	_ =	swait.ge @!p0 [sflag:s0], s1  }
0x19c: {  	s1 =	ssub.s32 @!p0 $0x0, s1;
	[sflag:s0] =	ssyncset.done @!p0 $0x0  }
0x19d: {  	[sflag:s0] =	ssyncadd.s32 @!p0 s1  }
0x19e: {  	[bflag:$0x3] =	sbarrier.arrive $0xFFFF  }
0x19f: {  	_ =	shalt  }

</sc_bundles>
